<compile_context>
chip_gen: v7x
topology: tpu7x:2x2x1
jax: 0.10.2.dev20260603
libtpu: 0.0.44.dev20260713+nightly
codegen_flags: <defaults>
</compile_context>

<pallas_src>
import jax
import jax.numpy as jnp
from jax import lax
from jax.experimental import pallas as pl
from jax.experimental.pallas import tpu as pltpu
from jax.experimental.pallas import tpu_sc as plsc

B, T, V, D = 16384, 3, 10, 10
NC, NS = 2, 16
NW = NC * NS
BPW = B // NW
GROUPS = BPW // 16
CTS = 32


def _body(x_hbm, char_hbm, pos_hbm, out_hbm, x_v, char_v, pos_v, ct_v, out_v):
    wid = lax.axis_index("s") * NC + lax.axis_index("c")
    b0 = wid * BPW

    for t in range(T):
        pltpu.sync_copy(x_hbm.at[pl.ds(t * B + b0, BPW)],
                        x_v.at[pl.ds(t * BPW, BPW)])
    pltpu.sync_copy(char_hbm, char_v)
    pltpu.sync_copy(pos_hbm, pos_v)

    lane = lax.iota(jnp.int32, 16)
    zero_v = lane * 0

    for c0, width in ((0, 16), (16, T * V - 16)):
        c_vec = lane + c0
        mask_c = lane < width
        t_vec = ((c_vec >= V).astype(jnp.int32)
                 + (c_vec >= 2 * V).astype(jnp.int32))
        v10 = (c_vec - t_vec * V) * D
        t10 = t_vec * V
        for d in range(D):
            cv = plsc.load_gather(char_v, [v10 + d], mask=mask_c)
            pv = plsc.load_gather(pos_v, [t10 + d], mask=mask_c)
            plsc.store_scatter(ct_v, [c_vec + d * CTS], cv + pv, mask=mask_c)

    @plsc.parallel_loop(0, GROUPS, step=1, unroll=2)
    def _loop(i):
        lb = i * 16 + lane
        for t in range(T):
            xv = plsc.load_gather(x_v, [lb + t * BPW])
            cidx = xv + t * V
            for d in range(D):
                val = plsc.load_gather(ct_v, [cidx + d * CTS])
                plsc.store_scatter(out_v,
                                   [zero_v, (t * D + d) * BPW + lb], val)

    pltpu.sync_copy(out_v, out_hbm.at[:, pl.ds(b0, BPW)])


def kernel(x, char_table, pos_table):
    mesh = plsc.VectorSubcoreMesh(
        core_axis_name="c", subcore_axis_name="s",
        num_cores=NC, num_subcores=NS)
    k = pl.kernel(
        _body,
        out_type=jax.ShapeDtypeStruct((T * D, B), jnp.float32),
        mesh=mesh,
        scratch_types=[
            pltpu.VMEM((BPW * T,), jnp.int32),
            pltpu.VMEM((V * D,), jnp.float32),
            pltpu.VMEM((T * V,), jnp.float32),
            pltpu.VMEM((D * CTS,), jnp.float32),
            pltpu.VMEM((T * D, BPW), jnp.float32),
        ],
        compiler_params=pltpu.CompilerParams(
            needs_layout_passes=False, use_tc_tiling_on_sc=False),
    )
    out = k(x.T.reshape(T * B), char_table.reshape(V * D),
            pos_table.reshape(T * V))
    return out.T.reshape(B, T, D)

# --- scband reference (transcript-rebuilt; emitter-appended) ---
"""Pipeline reference for scband-embeddings-65558380806732 (READ-ONLY COPY).

The authoritative reference and input builder live on the scoring server;
editing this copy changes nothing except your own understanding.
"""

import jax, jax.numpy as jnp
import numpy as np

VOCAB_SIZE = 10
EMBEDDING_DIM = 10
BLOCK_SIZE = 3

def setup_inputs(seed: int = 0) -> dict:
    key = jax.random.key(seed)
    k1, k2, k3 = jax.random.split(key, 3)
    x = jax.random.randint(k1, (16384, 3), 0, VOCAB_SIZE, dtype=jnp.int64 if jax.config.read('jax_enable_x64') else jnp.int32)
    char_table = jax.random.normal(k2, (VOCAB_SIZE, EMBEDDING_DIM), dtype=jnp.float32)
    pos_table = jax.random.normal(k3, (BLOCK_SIZE, EMBEDDING_DIM), dtype=jnp.float32)
    return {"x": x, "char_table": char_table, "pos_table": pos_table}

def reference(x, char_table, pos_table):
    T = x.shape[1]
    tok_emb = jnp.take(char_table, x, axis=0)          # [B, T, D]
    pos_emb = jnp.take(pos_table, jnp.arange(T), axis=0)  # [T, D]
    x_emb = tok_emb + pos_emb[None, :, :]
    return x_emb

if __name__ == "__main__":
    import jax
    _d = setup_inputs()
    print(jax.jit(kernel)(*tuple(_d.values())))

</pallas_src>

<mosaic_0001>
#map = affine_map<(d0, d1) -> (0)>
#map1 = affine_map<(d0, d1) -> (0, 0)>
module attributes {stable_mosaic.version = 14 : i64} {
  func.func @_body(%arg0: i32, %arg1: i32, %arg2: memref<49152xi32, #tpu.memory_space<hbm>>, %arg3: memref<100xf32, #tpu.memory_space<hbm>>, %arg4: memref<30xf32, #tpu.memory_space<hbm>>, %arg5: memref<30x16384xf32, #tpu.memory_space<hbm>>, %arg6: memref<1536xi32, #tpu.memory_space<vmem>>, %arg7: memref<100xf32, #tpu.memory_space<vmem>>, %arg8: memref<30xf32, #tpu.memory_space<vmem>>, %arg9: memref<320xf32, #tpu.memory_space<vmem>>, %arg10: memref<30x512xf32, #tpu.memory_space<vmem>>) attributes {dimension_semantics = [#tpu.dimension_semantics<core_parallel>, #tpu.dimension_semantics<subcore_parallel>], iteration_bounds = array<i64: 2, 16>, scalar_prefetch = 0 : i64, scratch_operands = 5 : i64, tpu.core_type = #tpu.core_type<sc_vector_subcore>, window_params = [{transform_indices = #map}, {transform_indices = #map}, {transform_indices = #map}, {transform_indices = #map1}]} {
    %mul3A = arith.constant 2 : i32
    %mul3A_0 = arith.muli %arg1, %mul3A : i32
    %add3A = arith.addi %mul3A_0, %arg0 : i32
    %mul3A_1 = arith.constant 512 : i32
    %mul3A_2 = arith.muli %add3A, %mul3A_1 : i32
    %add3A_3 = arith.constant 0 : i32
    %add3A_4 = arith.addi %add3A_3, %mul3A_2 : i32
    "tpu.region"() ({
      %run_scoped3A = tpu.sem_alloc : memref<!tpu.dma_semaphore, #tpu.memory_space<semaphore_mem>>
      %dma_start3A = arith.constant 0 : i32
      %dma_start3A_299 = tpu.memref_slice %arg6[%dma_start3A] : memref<1536xi32, #tpu.memory_space<vmem>> -> memref<512xi32, #tpu.memory_space<vmem>>
      %dma_start3A_300 = tpu.memref_slice %arg2[%add3A_4] : memref<49152xi32, #tpu.memory_space<hbm>> -> memref<512xi32, #tpu.memory_space<hbm>>
      %dma_start3A_301 = arith.constant 0 : i32
      %dma_start3A_302 = tpu.memref_slice %arg6[%dma_start3A_301] : memref<1536xi32, #tpu.memory_space<vmem>> -> memref<512xi32, #tpu.memory_space<vmem>>
      %dma_start3A_303 = tpu.memref_slice %arg2[%add3A_4] : memref<49152xi32, #tpu.memory_space<hbm>> -> memref<512xi32, #tpu.memory_space<hbm>>
      tpu.enqueue_dma source(%dma_start3A_303 : memref<512xi32, #tpu.memory_space<hbm>>) target(%dma_start3A_302 : memref<512xi32, #tpu.memory_space<vmem>>) target_semaphore(%run_scoped3A : memref<!tpu.dma_semaphore, #tpu.memory_space<semaphore_mem>>)
      %dma_wait3A = arith.constant 0 : i32
      %dma_wait3A_304 = tpu.memref_slice %arg6[%dma_wait3A] : memref<1536xi32, #tpu.memory_space<vmem>> -> memref<512xi32, #tpu.memory_space<vmem>>
      %dma_wait3A_305 = tpu.memref_slice %arg2[%add3A_4] : memref<49152xi32, #tpu.memory_space<hbm>> -> memref<512xi32, #tpu.memory_space<hbm>>
      %dma_wait3A_306 = arith.constant 0 : i32
      %dma_wait3A_307 = tpu.memref_slice %arg6[%dma_wait3A_306] : memref<1536xi32, #tpu.memory_space<vmem>> -> memref<512xi32, #tpu.memory_space<vmem>>
      %dma_wait3A_308 = tpu.memref_slice %arg2[%add3A_4] : memref<49152xi32, #tpu.memory_space<hbm>> -> memref<512xi32, #tpu.memory_space<hbm>>
      tpu.wait_dma2 semaphore(%run_scoped3A : memref<!tpu.dma_semaphore, #tpu.memory_space<semaphore_mem>>) src(%dma_wait3A_308 : memref<512xi32, #tpu.memory_space<hbm>>) dst(%dma_wait3A_307 : memref<512xi32, #tpu.memory_space<vmem>>)
      tpu.yield
    }) : () -> ()
    %add3A_5 = arith.constant 16384 : i32
    %add3A_6 = arith.addi %add3A_5, %mul3A_2 : i32
    "tpu.region"() ({
      %run_scoped3A = tpu.sem_alloc : memref<!tpu.dma_semaphore, #tpu.memory_space<semaphore_mem>>
      %dma_start3A = arith.constant 512 : i32
      %dma_start3A_299 = tpu.memref_slice %arg6[%dma_start3A] : memref<1536xi32, #tpu.memory_space<vmem>> -> memref<512xi32, #tpu.memory_space<vmem>>
      %dma_start3A_300 = tpu.memref_slice %arg2[%add3A_6] : memref<49152xi32, #tpu.memory_space<hbm>> -> memref<512xi32, #tpu.memory_space<hbm>>
      %dma_start3A_301 = arith.constant 512 : i32
      %dma_start3A_302 = tpu.memref_slice %arg6[%dma_start3A_301] : memref<1536xi32, #tpu.memory_space<vmem>> -> memref<512xi32, #tpu.memory_space<vmem>>
      %dma_start3A_303 = tpu.memref_slice %arg2[%add3A_6] : memref<49152xi32, #tpu.memory_space<hbm>> -> memref<512xi32, #tpu.memory_space<hbm>>
      tpu.enqueue_dma source(%dma_start3A_303 : memref<512xi32, #tpu.memory_space<hbm>>) target(%dma_start3A_302 : memref<512xi32, #tpu.memory_space<vmem>>) target_semaphore(%run_scoped3A : memref<!tpu.dma_semaphore, #tpu.memory_space<semaphore_mem>>)
      %dma_wait3A = arith.constant 512 : i32
      %dma_wait3A_304 = tpu.memref_slice %arg6[%dma_wait3A] : memref<1536xi32, #tpu.memory_space<vmem>> -> memref<512xi32, #tpu.memory_space<vmem>>
      %dma_wait3A_305 = tpu.memref_slice %arg2[%add3A_6] : memref<49152xi32, #tpu.memory_space<hbm>> -> memref<512xi32, #tpu.memory_space<hbm>>
      %dma_wait3A_306 = arith.constant 512 : i32
      %dma_wait3A_307 = tpu.memref_slice %arg6[%dma_wait3A_306] : memref<1536xi32, #tpu.memory_space<vmem>> -> memref<512xi32, #tpu.memory_space<vmem>>
      %dma_wait3A_308 = tpu.memref_slice %arg2[%add3A_6] : memref<49152xi32, #tpu.memory_space<hbm>> -> memref<512xi32, #tpu.memory_space<hbm>>
      tpu.wait_dma2 semaphore(%run_scoped3A : memref<!tpu.dma_semaphore, #tpu.memory_space<semaphore_mem>>) src(%dma_wait3A_308 : memref<512xi32, #tpu.memory_space<hbm>>) dst(%dma_wait3A_307 : memref<512xi32, #tpu.memory_space<vmem>>)
      tpu.yield
    }) : () -> ()
    %add3A_7 = arith.constant 32768 : i32
    %add3A_8 = arith.addi %add3A_7, %mul3A_2 : i32
    "tpu.region"() ({
      %run_scoped3A = tpu.sem_alloc : memref<!tpu.dma_semaphore, #tpu.memory_space<semaphore_mem>>
      %dma_start3A = arith.constant 1024 : i32
      %dma_start3A_299 = tpu.memref_slice %arg6[%dma_start3A] : memref<1536xi32, #tpu.memory_space<vmem>> -> memref<512xi32, #tpu.memory_space<vmem>>
      %dma_start3A_300 = tpu.memref_slice %arg2[%add3A_8] : memref<49152xi32, #tpu.memory_space<hbm>> -> memref<512xi32, #tpu.memory_space<hbm>>
      %dma_start3A_301 = arith.constant 1024 : i32
      %dma_start3A_302 = tpu.memref_slice %arg6[%dma_start3A_301] : memref<1536xi32, #tpu.memory_space<vmem>> -> memref<512xi32, #tpu.memory_space<vmem>>
      %dma_start3A_303 = tpu.memref_slice %arg2[%add3A_8] : memref<49152xi32, #tpu.memory_space<hbm>> -> memref<512xi32, #tpu.memory_space<hbm>>
      tpu.enqueue_dma source(%dma_start3A_303 : memref<512xi32, #tpu.memory_space<hbm>>) target(%dma_start3A_302 : memref<512xi32, #tpu.memory_space<vmem>>) target_semaphore(%run_scoped3A : memref<!tpu.dma_semaphore, #tpu.memory_space<semaphore_mem>>)
      %dma_wait3A = arith.constant 1024 : i32
      %dma_wait3A_304 = tpu.memref_slice %arg6[%dma_wait3A] : memref<1536xi32, #tpu.memory_space<vmem>> -> memref<512xi32, #tpu.memory_space<vmem>>
      %dma_wait3A_305 = tpu.memref_slice %arg2[%add3A_8] : memref<49152xi32, #tpu.memory_space<hbm>> -> memref<512xi32, #tpu.memory_space<hbm>>
      %dma_wait3A_306 = arith.constant 1024 : i32
      %dma_wait3A_307 = tpu.memref_slice %arg6[%dma_wait3A_306] : memref<1536xi32, #tpu.memory_space<vmem>> -> memref<512xi32, #tpu.memory_space<vmem>>
      %dma_wait3A_308 = tpu.memref_slice %arg2[%add3A_8] : memref<49152xi32, #tpu.memory_space<hbm>> -> memref<512xi32, #tpu.memory_space<hbm>>
      tpu.wait_dma2 semaphore(%run_scoped3A : memref<!tpu.dma_semaphore, #tpu.memory_space<semaphore_mem>>) src(%dma_wait3A_308 : memref<512xi32, #tpu.memory_space<hbm>>) dst(%dma_wait3A_307 : memref<512xi32, #tpu.memory_space<vmem>>)
      tpu.yield
    }) : () -> ()
    "tpu.region"() ({
      %run_scoped3A = tpu.sem_alloc : memref<!tpu.dma_semaphore, #tpu.memory_space<semaphore_mem>>
      tpu.enqueue_dma source(%arg3 : memref<100xf32, #tpu.memory_space<hbm>>) target(%arg7 : memref<100xf32, #tpu.memory_space<vmem>>) target_semaphore(%run_scoped3A : memref<!tpu.dma_semaphore, #tpu.memory_space<semaphore_mem>>)
      tpu.wait_dma2 semaphore(%run_scoped3A : memref<!tpu.dma_semaphore, #tpu.memory_space<semaphore_mem>>) src(%arg3 : memref<100xf32, #tpu.memory_space<hbm>>) dst(%arg7 : memref<100xf32, #tpu.memory_space<vmem>>)
      tpu.yield
    }) : () -> ()
    "tpu.region"() ({
      %run_scoped3A = tpu.sem_alloc : memref<!tpu.dma_semaphore, #tpu.memory_space<semaphore_mem>>
      tpu.enqueue_dma source(%arg4 : memref<30xf32, #tpu.memory_space<hbm>>) target(%arg8 : memref<30xf32, #tpu.memory_space<vmem>>) target_semaphore(%run_scoped3A : memref<!tpu.dma_semaphore, #tpu.memory_space<semaphore_mem>>)
      tpu.wait_dma2 semaphore(%run_scoped3A : memref<!tpu.dma_semaphore, #tpu.memory_space<semaphore_mem>>) src(%arg4 : memref<30xf32, #tpu.memory_space<hbm>>) dst(%arg8 : memref<30xf32, #tpu.memory_space<vmem>>)
      tpu.yield
    }) : () -> ()
    %iota3A = tpu.iota {dimensions = array<i32: 0>} : vector<16xi32>
    %mul3A_9 = arith.constant 0 : i32
    %mul3A_10 = vector.broadcast %mul3A_9 : i32 to vector<16xi32>
    %mul3A_11 = arith.muli %iota3A, %mul3A_10 : vector<16xi32>
    %add3A_12 = arith.constant 0 : i32
    %add3A_13 = vector.broadcast %add3A_12 : i32 to vector<16xi32>
    %add3A_14 = arith.addi %iota3A, %add3A_13 : vector<16xi32>
    %lt3A = arith.constant 16 : i32
    %lt3A_15 = vector.broadcast %lt3A : i32 to vector<16xi32>
    %lt3A_16 = arith.cmpi slt, %iota3A, %lt3A_15 : vector<16xi32>
    %ge3A = arith.constant 10 : i32
    %ge3A_17 = vector.broadcast %ge3A : i32 to vector<16xi32>
    %ge3A_18 = arith.cmpi sge, %add3A_14, %ge3A_17 : vector<16xi32>
    %convert_element_type3A = arith.extui %ge3A_18 : vector<16xi1> to vector<16xi32>
    %ge3A_19 = arith.constant 20 : i32
    %ge3A_20 = vector.broadcast %ge3A_19 : i32 to vector<16xi32>
    %ge3A_21 = arith.cmpi sge, %add3A_14, %ge3A_20 : vector<16xi32>
    %convert_element_type3A_22 = arith.extui %ge3A_21 : vector<16xi1> to vector<16xi32>
    %add3A_23 = arith.addi %convert_element_type3A, %convert_element_type3A_22 : vector<16xi32>
    %mul3A_24 = arith.constant 10 : i32
    %mul3A_25 = vector.broadcast %mul3A_24 : i32 to vector<16xi32>
    %mul3A_26 = arith.muli %add3A_23, %mul3A_25 : vector<16xi32>
    %sub3A = arith.subi %add3A_14, %mul3A_26 : vector<16xi32>
    %mul3A_27 = arith.constant 10 : i32
    %mul3A_28 = vector.broadcast %mul3A_27 : i32 to vector<16xi32>
    %mul3A_29 = arith.muli %sub3A, %mul3A_28 : vector<16xi32>
    %mul3A_30 = arith.constant 10 : i32
    %mul3A_31 = vector.broadcast %mul3A_30 : i32 to vector<16xi32>
    %mul3A_32 = arith.muli %add3A_23, %mul3A_31 : vector<16xi32>
    %add3A_33 = arith.constant 0 : i32
    %add3A_34 = vector.broadcast %add3A_33 : i32 to vector<16xi32>
    %add3A_35 = arith.addi %mul3A_29, %add3A_34 : vector<16xi32>
    %gather3A = tpu.vector_load_idx %arg7[%add3A_35] masked %lt3A_16 : memref<100xf32, #tpu.memory_space<vmem>>[vector<16xi32>], vector<16xf32>, vector<16xi1>
    %add3A_36 = arith.constant 0 : i32
    %add3A_37 = vector.broadcast %add3A_36 : i32 to vector<16xi32>
    %add3A_38 = arith.addi %mul3A_32, %add3A_37 : vector<16xi32>
    %gather3A_39 = tpu.vector_load_idx %arg8[%add3A_38] masked %lt3A_16 : memref<30xf32, #tpu.memory_space<vmem>>[vector<16xi32>], vector<16xf32>, vector<16xi1>
    %add3A_40 = arith.constant 0 : i32
    %add3A_41 = vector.broadcast %add3A_40 : i32 to vector<16xi32>
    %add3A_42 = arith.addi %add3A_14, %add3A_41 : vector<16xi32>
    %add3A_43 = arith.addf %gather3A, %gather3A_39 : vector<16xf32>
    tpu.vector_store_idx %arg9[%add3A_42], %add3A_43 masked %lt3A_16 : memref<320xf32, #tpu.memory_space<vmem>>[vector<16xi32>], vector<16xf32>, vector<16xi1>
    %add3A_44 = arith.constant 1 : i32
    %add3A_45 = vector.broadcast %add3A_44 : i32 to vector<16xi32>
    %add3A_46 = arith.addi %mul3A_29, %add3A_45 : vector<16xi32>
    %gather3A_47 = tpu.vector_load_idx %arg7[%add3A_46] masked %lt3A_16 : memref<100xf32, #tpu.memory_space<vmem>>[vector<16xi32>], vector<16xf32>, vector<16xi1>
    %add3A_48 = arith.constant 1 : i32
    %add3A_49 = vector.broadcast %add3A_48 : i32 to vector<16xi32>
    %add3A_50 = arith.addi %mul3A_32, %add3A_49 : vector<16xi32>
    %gather3A_51 = tpu.vector_load_idx %arg8[%add3A_50] masked %lt3A_16 : memref<30xf32, #tpu.memory_space<vmem>>[vector<16xi32>], vector<16xf32>, vector<16xi1>
    %add3A_52 = arith.constant 32 : i32
    %add3A_53 = vector.broadcast %add3A_52 : i32 to vector<16xi32>
    %add3A_54 = arith.addi %add3A_14, %add3A_53 : vector<16xi32>
    %add3A_55 = arith.addf %gather3A_47, %gather3A_51 : vector<16xf32>
    tpu.vector_store_idx %arg9[%add3A_54], %add3A_55 masked %lt3A_16 : memref<320xf32, #tpu.memory_space<vmem>>[vector<16xi32>], vector<16xf32>, vector<16xi1>
    %add3A_56 = arith.constant 2 : i32
    %add3A_57 = vector.broadcast %add3A_56 : i32 to vector<16xi32>
    %add3A_58 = arith.addi %mul3A_29, %add3A_57 : vector<16xi32>
    %gather3A_59 = tpu.vector_load_idx %arg7[%add3A_58] masked %lt3A_16 : memref<100xf32, #tpu.memory_space<vmem>>[vector<16xi32>], vector<16xf32>, vector<16xi1>
    %add3A_60 = arith.constant 2 : i32
    %add3A_61 = vector.broadcast %add3A_60 : i32 to vector<16xi32>
    %add3A_62 = arith.addi %mul3A_32, %add3A_61 : vector<16xi32>
    %gather3A_63 = tpu.vector_load_idx %arg8[%add3A_62] masked %lt3A_16 : memref<30xf32, #tpu.memory_space<vmem>>[vector<16xi32>], vector<16xf32>, vector<16xi1>
    %add3A_64 = arith.constant 64 : i32
    %add3A_65 = vector.broadcast %add3A_64 : i32 to vector<16xi32>
    %add3A_66 = arith.addi %add3A_14, %add3A_65 : vector<16xi32>
    %add3A_67 = arith.addf %gather3A_59, %gather3A_63 : vector<16xf32>
    tpu.vector_store_idx %arg9[%add3A_66], %add3A_67 masked %lt3A_16 : memref<320xf32, #tpu.memory_space<vmem>>[vector<16xi32>], vector<16xf32>, vector<16xi1>
    %add3A_68 = arith.constant 3 : i32
    %add3A_69 = vector.broadcast %add3A_68 : i32 to vector<16xi32>
    %add3A_70 = arith.addi %mul3A_29, %add3A_69 : vector<16xi32>
    %gather3A_71 = tpu.vector_load_idx %arg7[%add3A_70] masked %lt3A_16 : memref<100xf32, #tpu.memory_space<vmem>>[vector<16xi32>], vector<16xf32>, vector<16xi1>
    %add3A_72 = arith.constant 3 : i32
    %add3A_73 = vector.broadcast %add3A_72 : i32 to vector<16xi32>
    %add3A_74 = arith.addi %mul3A_32, %add3A_73 : vector<16xi32>
    %gather3A_75 = tpu.vector_load_idx %arg8[%add3A_74] masked %lt3A_16 : memref<30xf32, #tpu.memory_space<vmem>>[vector<16xi32>], vector<16xf32>, vector<16xi1>
    %add3A_76 = arith.constant 96 : i32
    %add3A_77 = vector.broadcast %add3A_76 : i32 to vector<16xi32>
    %add3A_78 = arith.addi %add3A_14, %add3A_77 : vector<16xi32>
    %add3A_79 = arith.addf %gather3A_71, %gather3A_75 : vector<16xf32>
    tpu.vector_store_idx %arg9[%add3A_78], %add3A_79 masked %lt3A_16 : memref<320xf32, #tpu.memory_space<vmem>>[vector<16xi32>], vector<16xf32>, vector<16xi1>
    %add3A_80 = arith.constant 4 : i32
    %add3A_81 = vector.broadcast %add3A_80 : i32 to vector<16xi32>
    %add3A_82 = arith.addi %mul3A_29, %add3A_81 : vector<16xi32>
    %gather3A_83 = tpu.vector_load_idx %arg7[%add3A_82] masked %lt3A_16 : memref<100xf32, #tpu.memory_space<vmem>>[vector<16xi32>], vector<16xf32>, vector<16xi1>
    %add3A_84 = arith.constant 4 : i32
    %add3A_85 = vector.broadcast %add3A_84 : i32 to vector<16xi32>
    %add3A_86 = arith.addi %mul3A_32, %add3A_85 : vector<16xi32>
    %gather3A_87 = tpu.vector_load_idx %arg8[%add3A_86] masked %lt3A_16 : memref<30xf32, #tpu.memory_space<vmem>>[vector<16xi32>], vector<16xf32>, vector<16xi1>
    %add3A_88 = arith.constant 128 : i32
    %add3A_89 = vector.broadcast %add3A_88 : i32 to vector<16xi32>
    %add3A_90 = arith.addi %add3A_14, %add3A_89 : vector<16xi32>
    %add3A_91 = arith.addf %gather3A_83, %gather3A_87 : vector<16xf32>
    tpu.vector_store_idx %arg9[%add3A_90], %add3A_91 masked %lt3A_16 : memref<320xf32, #tpu.memory_space<vmem>>[vector<16xi32>], vector<16xf32>, vector<16xi1>
    %add3A_92 = arith.constant 5 : i32
    %add3A_93 = vector.broadcast %add3A_92 : i32 to vector<16xi32>
    %add3A_94 = arith.addi %mul3A_29, %add3A_93 : vector<16xi32>
    %gather3A_95 = tpu.vector_load_idx %arg7[%add3A_94] masked %lt3A_16 : memref<100xf32, #tpu.memory_space<vmem>>[vector<16xi32>], vector<16xf32>, vector<16xi1>
    %add3A_96 = arith.constant 5 : i32
    %add3A_97 = vector.broadcast %add3A_96 : i32 to vector<16xi32>
    %add3A_98 = arith.addi %mul3A_32, %add3A_97 : vector<16xi32>
    %gather3A_99 = tpu.vector_load_idx %arg8[%add3A_98] masked %lt3A_16 : memref<30xf32, #tpu.memory_space<vmem>>[vector<16xi32>], vector<16xf32>, vector<16xi1>
    %add3A_100 = arith.constant 160 : i32
    %add3A_101 = vector.broadcast %add3A_100 : i32 to vector<16xi32>
    %add3A_102 = arith.addi %add3A_14, %add3A_101 : vector<16xi32>
    %add3A_103 = arith.addf %gather3A_95, %gather3A_99 : vector<16xf32>
    tpu.vector_store_idx %arg9[%add3A_102], %add3A_103 masked %lt3A_16 : memref<320xf32, #tpu.memory_space<vmem>>[vector<16xi32>], vector<16xf32>, vector<16xi1>
    %add3A_104 = arith.constant 6 : i32
    %add3A_105 = vector.broadcast %add3A_104 : i32 to vector<16xi32>
    %add3A_106 = arith.addi %mul3A_29, %add3A_105 : vector<16xi32>
    %gather3A_107 = tpu.vector_load_idx %arg7[%add3A_106] masked %lt3A_16 : memref<100xf32, #tpu.memory_space<vmem>>[vector<16xi32>], vector<16xf32>, vector<16xi1>
    %add3A_108 = arith.constant 6 : i32
    %add3A_109 = vector.broadcast %add3A_108 : i32 to vector<16xi32>
    %add3A_110 = arith.addi %mul3A_32, %add3A_109 : vector<16xi32>
    %gather3A_111 = tpu.vector_load_idx %arg8[%add3A_110] masked %lt3A_16 : memref<30xf32, #tpu.memory_space<vmem>>[vector<16xi32>], vector<16xf32>, vector<16xi1>
    %add3A_112 = arith.constant 192 : i32
    %add3A_113 = vector.broadcast %add3A_112 : i32 to vector<16xi32>
    %add3A_114 = arith.addi %add3A_14, %add3A_113 : vector<16xi32>
    %add3A_115 = arith.addf %gather3A_107, %gather3A_111 : vector<16xf32>
    tpu.vector_store_idx %arg9[%add3A_114], %add3A_115 masked %lt3A_16 : memref<320xf32, #tpu.memory_space<vmem>>[vector<16xi32>], vector<16xf32>, vector<16xi1>
    %add3A_116 = arith.constant 7 : i32
    %add3A_117 = vector.broadcast %add3A_116 : i32 to vector<16xi32>
    %add3A_118 = arith.addi %mul3A_29, %add3A_117 : vector<16xi32>
    %gather3A_119 = tpu.vector_load_idx %arg7[%add3A_118] masked %lt3A_16 : memref<100xf32, #tpu.memory_space<vmem>>[vector<16xi32>], vector<16xf32>, vector<16xi1>
    %add3A_120 = arith.constant 7 : i32
    %add3A_121 = vector.broadcast %add3A_120 : i32 to vector<16xi32>
    %add3A_122 = arith.addi %mul3A_32, %add3A_121 : vector<16xi32>
    %gather3A_123 = tpu.vector_load_idx %arg8[%add3A_122] masked %lt3A_16 : memref<30xf32, #tpu.memory_space<vmem>>[vector<16xi32>], vector<16xf32>, vector<16xi1>
    %add3A_124 = arith.constant 224 : i32
    %add3A_125 = vector.broadcast %add3A_124 : i32 to vector<16xi32>
    %add3A_126 = arith.addi %add3A_14, %add3A_125 : vector<16xi32>
    %add3A_127 = arith.addf %gather3A_119, %gather3A_123 : vector<16xf32>
    tpu.vector_store_idx %arg9[%add3A_126], %add3A_127 masked %lt3A_16 : memref<320xf32, #tpu.memory_space<vmem>>[vector<16xi32>], vector<16xf32>, vector<16xi1>
    %add3A_128 = arith.constant 8 : i32
    %add3A_129 = vector.broadcast %add3A_128 : i32 to vector<16xi32>
    %add3A_130 = arith.addi %mul3A_29, %add3A_129 : vector<16xi32>
    %gather3A_131 = tpu.vector_load_idx %arg7[%add3A_130] masked %lt3A_16 : memref<100xf32, #tpu.memory_space<vmem>>[vector<16xi32>], vector<16xf32>, vector<16xi1>
    %add3A_132 = arith.constant 8 : i32
    %add3A_133 = vector.broadcast %add3A_132 : i32 to vector<16xi32>
    %add3A_134 = arith.addi %mul3A_32, %add3A_133 : vector<16xi32>
    %gather3A_135 = tpu.vector_load_idx %arg8[%add3A_134] masked %lt3A_16 : memref<30xf32, #tpu.memory_space<vmem>>[vector<16xi32>], vector<16xf32>, vector<16xi1>
    %add3A_136 = arith.constant 256 : i32
    %add3A_137 = vector.broadcast %add3A_136 : i32 to vector<16xi32>
    %add3A_138 = arith.addi %add3A_14, %add3A_137 : vector<16xi32>
    %add3A_139 = arith.addf %gather3A_131, %gather3A_135 : vector<16xf32>
    tpu.vector_store_idx %arg9[%add3A_138], %add3A_139 masked %lt3A_16 : memref<320xf32, #tpu.memory_space<vmem>>[vector<16xi32>], vector<16xf32>, vector<16xi1>
    %add3A_140 = arith.constant 9 : i32
    %add3A_141 = vector.broadcast %add3A_140 : i32 to vector<16xi32>
    %add3A_142 = arith.addi %mul3A_29, %add3A_141 : vector<16xi32>
    %gather3A_143 = tpu.vector_load_idx %arg7[%add3A_142] masked %lt3A_16 : memref<100xf32, #tpu.memory_space<vmem>>[vector<16xi32>], vector<16xf32>, vector<16xi1>
    %add3A_144 = arith.constant 9 : i32
    %add3A_145 = vector.broadcast %add3A_144 : i32 to vector<16xi32>
    %add3A_146 = arith.addi %mul3A_32, %add3A_145 : vector<16xi32>
    %gather3A_147 = tpu.vector_load_idx %arg8[%add3A_146] masked %lt3A_16 : memref<30xf32, #tpu.memory_space<vmem>>[vector<16xi32>], vector<16xf32>, vector<16xi1>
    %add3A_148 = arith.constant 288 : i32
    %add3A_149 = vector.broadcast %add3A_148 : i32 to vector<16xi32>
    %add3A_150 = arith.addi %add3A_14, %add3A_149 : vector<16xi32>
    %add3A_151 = arith.addf %gather3A_143, %gather3A_147 : vector<16xf32>
    tpu.vector_store_idx %arg9[%add3A_150], %add3A_151 masked %lt3A_16 : memref<320xf32, #tpu.memory_space<vmem>>[vector<16xi32>], vector<16xf32>, vector<16xi1>
    %add3A_152 = arith.constant 16 : i32
    %add3A_153 = vector.broadcast %add3A_152 : i32 to vector<16xi32>
    %add3A_154 = arith.addi %iota3A, %add3A_153 : vector<16xi32>
    %lt3A_155 = arith.constant 14 : i32
    %lt3A_156 = vector.broadcast %lt3A_155 : i32 to vector<16xi32>
    %lt3A_157 = arith.cmpi slt, %iota3A, %lt3A_156 : vector<16xi32>
    %ge3A_158 = arith.constant 10 : i32
    %ge3A_159 = vector.broadcast %ge3A_158 : i32 to vector<16xi32>
    %ge3A_160 = arith.cmpi sge, %add3A_154, %ge3A_159 : vector<16xi32>
    %convert_element_type3A_161 = arith.extui %ge3A_160 : vector<16xi1> to vector<16xi32>
    %ge3A_162 = arith.constant 20 : i32
    %ge3A_163 = vector.broadcast %ge3A_162 : i32 to vector<16xi32>
    %ge3A_164 = arith.cmpi sge, %add3A_154, %ge3A_163 : vector<16xi32>
    %convert_element_type3A_165 = arith.extui %ge3A_164 : vector<16xi1> to vector<16xi32>
    %add3A_166 = arith.addi %convert_element_type3A_161, %convert_element_type3A_165 : vector<16xi32>
    %mul3A_167 = arith.constant 10 : i32
    %mul3A_168 = vector.broadcast %mul3A_167 : i32 to vector<16xi32>
    %mul3A_169 = arith.muli %add3A_166, %mul3A_168 : vector<16xi32>
    %sub3A_170 = arith.subi %add3A_154, %mul3A_169 : vector<16xi32>
    %mul3A_171 = arith.constant 10 : i32
    %mul3A_172 = vector.broadcast %mul3A_171 : i32 to vector<16xi32>
    %mul3A_173 = arith.muli %sub3A_170, %mul3A_172 : vector<16xi32>
    %mul3A_174 = arith.constant 10 : i32
    %mul3A_175 = vector.broadcast %mul3A_174 : i32 to vector<16xi32>
    %mul3A_176 = arith.muli %add3A_166, %mul3A_175 : vector<16xi32>
    %add3A_177 = arith.constant 0 : i32
    %add3A_178 = vector.broadcast %add3A_177 : i32 to vector<16xi32>
    %add3A_179 = arith.addi %mul3A_173, %add3A_178 : vector<16xi32>
    %gather3A_180 = tpu.vector_load_idx %arg7[%add3A_179] masked %lt3A_157 : memref<100xf32, #tpu.memory_space<vmem>>[vector<16xi32>], vector<16xf32>, vector<16xi1>
    %add3A_181 = arith.constant 0 : i32
    %add3A_182 = vector.broadcast %add3A_181 : i32 to vector<16xi32>
    %add3A_183 = arith.addi %mul3A_176, %add3A_182 : vector<16xi32>
    %gather3A_184 = tpu.vector_load_idx %arg8[%add3A_183] masked %lt3A_157 : memref<30xf32, #tpu.memory_space<vmem>>[vector<16xi32>], vector<16xf32>, vector<16xi1>
    %add3A_185 = arith.constant 0 : i32
    %add3A_186 = vector.broadcast %add3A_185 : i32 to vector<16xi32>
    %add3A_187 = arith.addi %add3A_154, %add3A_186 : vector<16xi32>
    %add3A_188 = arith.addf %gather3A_180, %gather3A_184 : vector<16xf32>
    tpu.vector_store_idx %arg9[%add3A_187], %add3A_188 masked %lt3A_157 : memref<320xf32, #tpu.memory_space<vmem>>[vector<16xi32>], vector<16xf32>, vector<16xi1>
    %add3A_189 = arith.constant 1 : i32
    %add3A_190 = vector.broadcast %add3A_189 : i32 to vector<16xi32>
    %add3A_191 = arith.addi %mul3A_173, %add3A_190 : vector<16xi32>
    %gather3A_192 = tpu.vector_load_idx %arg7[%add3A_191] masked %lt3A_157 : memref<100xf32, #tpu.memory_space<vmem>>[vector<16xi32>], vector<16xf32>, vector<16xi1>
    %add3A_193 = arith.constant 1 : i32
    %add3A_194 = vector.broadcast %add3A_193 : i32 to vector<16xi32>
    %add3A_195 = arith.addi %mul3A_176, %add3A_194 : vector<16xi32>
    %gather3A_196 = tpu.vector_load_idx %arg8[%add3A_195] masked %lt3A_157 : memref<30xf32, #tpu.memory_space<vmem>>[vector<16xi32>], vector<16xf32>, vector<16xi1>
    %add3A_197 = arith.constant 32 : i32
    %add3A_198 = vector.broadcast %add3A_197 : i32 to vector<16xi32>
    %add3A_199 = arith.addi %add3A_154, %add3A_198 : vector<16xi32>
    %add3A_200 = arith.addf %gather3A_192, %gather3A_196 : vector<16xf32>
    tpu.vector_store_idx %arg9[%add3A_199], %add3A_200 masked %lt3A_157 : memref<320xf32, #tpu.memory_space<vmem>>[vector<16xi32>], vector<16xf32>, vector<16xi1>
    %add3A_201 = arith.constant 2 : i32
    %add3A_202 = vector.broadcast %add3A_201 : i32 to vector<16xi32>
    %add3A_203 = arith.addi %mul3A_173, %add3A_202 : vector<16xi32>
    %gather3A_204 = tpu.vector_load_idx %arg7[%add3A_203] masked %lt3A_157 : memref<100xf32, #tpu.memory_space<vmem>>[vector<16xi32>], vector<16xf32>, vector<16xi1>
    %add3A_205 = arith.constant 2 : i32
    %add3A_206 = vector.broadcast %add3A_205 : i32 to vector<16xi32>
    %add3A_207 = arith.addi %mul3A_176, %add3A_206 : vector<16xi32>
    %gather3A_208 = tpu.vector_load_idx %arg8[%add3A_207] masked %lt3A_157 : memref<30xf32, #tpu.memory_space<vmem>>[vector<16xi32>], vector<16xf32>, vector<16xi1>
    %add3A_209 = arith.constant 64 : i32
    %add3A_210 = vector.broadcast %add3A_209 : i32 to vector<16xi32>
    %add3A_211 = arith.addi %add3A_154, %add3A_210 : vector<16xi32>
    %add3A_212 = arith.addf %gather3A_204, %gather3A_208 : vector<16xf32>
    tpu.vector_store_idx %arg9[%add3A_211], %add3A_212 masked %lt3A_157 : memref<320xf32, #tpu.memory_space<vmem>>[vector<16xi32>], vector<16xf32>, vector<16xi1>
    %add3A_213 = arith.constant 3 : i32
    %add3A_214 = vector.broadcast %add3A_213 : i32 to vector<16xi32>
    %add3A_215 = arith.addi %mul3A_173, %add3A_214 : vector<16xi32>
    %gather3A_216 = tpu.vector_load_idx %arg7[%add3A_215] masked %lt3A_157 : memref<100xf32, #tpu.memory_space<vmem>>[vector<16xi32>], vector<16xf32>, vector<16xi1>
    %add3A_217 = arith.constant 3 : i32
    %add3A_218 = vector.broadcast %add3A_217 : i32 to vector<16xi32>
    %add3A_219 = arith.addi %mul3A_176, %add3A_218 : vector<16xi32>
    %gather3A_220 = tpu.vector_load_idx %arg8[%add3A_219] masked %lt3A_157 : memref<30xf32, #tpu.memory_space<vmem>>[vector<16xi32>], vector<16xf32>, vector<16xi1>
    %add3A_221 = arith.constant 96 : i32
    %add3A_222 = vector.broadcast %add3A_221 : i32 to vector<16xi32>
    %add3A_223 = arith.addi %add3A_154, %add3A_222 : vector<16xi32>
    %add3A_224 = arith.addf %gather3A_216, %gather3A_220 : vector<16xf32>
    tpu.vector_store_idx %arg9[%add3A_223], %add3A_224 masked %lt3A_157 : memref<320xf32, #tpu.memory_space<vmem>>[vector<16xi32>], vector<16xf32>, vector<16xi1>
    %add3A_225 = arith.constant 4 : i32
    %add3A_226 = vector.broadcast %add3A_225 : i32 to vector<16xi32>
    %add3A_227 = arith.addi %mul3A_173, %add3A_226 : vector<16xi32>
    %gather3A_228 = tpu.vector_load_idx %arg7[%add3A_227] masked %lt3A_157 : memref<100xf32, #tpu.memory_space<vmem>>[vector<16xi32>], vector<16xf32>, vector<16xi1>
    %add3A_229 = arith.constant 4 : i32
    %add3A_230 = vector.broadcast %add3A_229 : i32 to vector<16xi32>
    %add3A_231 = arith.addi %mul3A_176, %add3A_230 : vector<16xi32>
    %gather3A_232 = tpu.vector_load_idx %arg8[%add3A_231] masked %lt3A_157 : memref<30xf32, #tpu.memory_space<vmem>>[vector<16xi32>], vector<16xf32>, vector<16xi1>
    %add3A_233 = arith.constant 128 : i32
    %add3A_234 = vector.broadcast %add3A_233 : i32 to vector<16xi32>
    %add3A_235 = arith.addi %add3A_154, %add3A_234 : vector<16xi32>
    %add3A_236 = arith.addf %gather3A_228, %gather3A_232 : vector<16xf32>
    tpu.vector_store_idx %arg9[%add3A_235], %add3A_236 masked %lt3A_157 : memref<320xf32, #tpu.memory_space<vmem>>[vector<16xi32>], vector<16xf32>, vector<16xi1>
    %add3A_237 = arith.constant 5 : i32
    %add3A_238 = vector.broadcast %add3A_237 : i32 to vector<16xi32>
    %add3A_239 = arith.addi %mul3A_173, %add3A_238 : vector<16xi32>
    %gather3A_240 = tpu.vector_load_idx %arg7[%add3A_239] masked %lt3A_157 : memref<100xf32, #tpu.memory_space<vmem>>[vector<16xi32>], vector<16xf32>, vector<16xi1>
    %add3A_241 = arith.constant 5 : i32
    %add3A_242 = vector.broadcast %add3A_241 : i32 to vector<16xi32>
    %add3A_243 = arith.addi %mul3A_176, %add3A_242 : vector<16xi32>
    %gather3A_244 = tpu.vector_load_idx %arg8[%add3A_243] masked %lt3A_157 : memref<30xf32, #tpu.memory_space<vmem>>[vector<16xi32>], vector<16xf32>, vector<16xi1>
    %add3A_245 = arith.constant 160 : i32
    %add3A_246 = vector.broadcast %add3A_245 : i32 to vector<16xi32>
    %add3A_247 = arith.addi %add3A_154, %add3A_246 : vector<16xi32>
    %add3A_248 = arith.addf %gather3A_240, %gather3A_244 : vector<16xf32>
    tpu.vector_store_idx %arg9[%add3A_247], %add3A_248 masked %lt3A_157 : memref<320xf32, #tpu.memory_space<vmem>>[vector<16xi32>], vector<16xf32>, vector<16xi1>
    %add3A_249 = arith.constant 6 : i32
    %add3A_250 = vector.broadcast %add3A_249 : i32 to vector<16xi32>
    %add3A_251 = arith.addi %mul3A_173, %add3A_250 : vector<16xi32>
    %gather3A_252 = tpu.vector_load_idx %arg7[%add3A_251] masked %lt3A_157 : memref<100xf32, #tpu.memory_space<vmem>>[vector<16xi32>], vector<16xf32>, vector<16xi1>
    %add3A_253 = arith.constant 6 : i32
    %add3A_254 = vector.broadcast %add3A_253 : i32 to vector<16xi32>
    %add3A_255 = arith.addi %mul3A_176, %add3A_254 : vector<16xi32>
    %gather3A_256 = tpu.vector_load_idx %arg8[%add3A_255] masked %lt3A_157 : memref<30xf32, #tpu.memory_space<vmem>>[vector<16xi32>], vector<16xf32>, vector<16xi1>
    %add3A_257 = arith.constant 192 : i32
    %add3A_258 = vector.broadcast %add3A_257 : i32 to vector<16xi32>
    %add3A_259 = arith.addi %add3A_154, %add3A_258 : vector<16xi32>
    %add3A_260 = arith.addf %gather3A_252, %gather3A_256 : vector<16xf32>
    tpu.vector_store_idx %arg9[%add3A_259], %add3A_260 masked %lt3A_157 : memref<320xf32, #tpu.memory_space<vmem>>[vector<16xi32>], vector<16xf32>, vector<16xi1>
    %add3A_261 = arith.constant 7 : i32
    %add3A_262 = vector.broadcast %add3A_261 : i32 to vector<16xi32>
    %add3A_263 = arith.addi %mul3A_173, %add3A_262 : vector<16xi32>
    %gather3A_264 = tpu.vector_load_idx %arg7[%add3A_263] masked %lt3A_157 : memref<100xf32, #tpu.memory_space<vmem>>[vector<16xi32>], vector<16xf32>, vector<16xi1>
    %add3A_265 = arith.constant 7 : i32
    %add3A_266 = vector.broadcast %add3A_265 : i32 to vector<16xi32>
    %add3A_267 = arith.addi %mul3A_176, %add3A_266 : vector<16xi32>
    %gather3A_268 = tpu.vector_load_idx %arg8[%add3A_267] masked %lt3A_157 : memref<30xf32, #tpu.memory_space<vmem>>[vector<16xi32>], vector<16xf32>, vector<16xi1>
    %add3A_269 = arith.constant 224 : i32
    %add3A_270 = vector.broadcast %add3A_269 : i32 to vector<16xi32>
    %add3A_271 = arith.addi %add3A_154, %add3A_270 : vector<16xi32>
    %add3A_272 = arith.addf %gather3A_264, %gather3A_268 : vector<16xf32>
    tpu.vector_store_idx %arg9[%add3A_271], %add3A_272 masked %lt3A_157 : memref<320xf32, #tpu.memory_space<vmem>>[vector<16xi32>], vector<16xf32>, vector<16xi1>
    %add3A_273 = arith.constant 8 : i32
    %add3A_274 = vector.broadcast %add3A_273 : i32 to vector<16xi32>
    %add3A_275 = arith.addi %mul3A_173, %add3A_274 : vector<16xi32>
    %gather3A_276 = tpu.vector_load_idx %arg7[%add3A_275] masked %lt3A_157 : memref<100xf32, #tpu.memory_space<vmem>>[vector<16xi32>], vector<16xf32>, vector<16xi1>
    %add3A_277 = arith.constant 8 : i32
    %add3A_278 = vector.broadcast %add3A_277 : i32 to vector<16xi32>
    %add3A_279 = arith.addi %mul3A_176, %add3A_278 : vector<16xi32>
    %gather3A_280 = tpu.vector_load_idx %arg8[%add3A_279] masked %lt3A_157 : memref<30xf32, #tpu.memory_space<vmem>>[vector<16xi32>], vector<16xf32>, vector<16xi1>
    %add3A_281 = arith.constant 256 : i32
    %add3A_282 = vector.broadcast %add3A_281 : i32 to vector<16xi32>
    %add3A_283 = arith.addi %add3A_154, %add3A_282 : vector<16xi32>
    %add3A_284 = arith.addf %gather3A_276, %gather3A_280 : vector<16xf32>
    tpu.vector_store_idx %arg9[%add3A_283], %add3A_284 masked %lt3A_157 : memref<320xf32, #tpu.memory_space<vmem>>[vector<16xi32>], vector<16xf32>, vector<16xi1>
    %add3A_285 = arith.constant 9 : i32
    %add3A_286 = vector.broadcast %add3A_285 : i32 to vector<16xi32>
    %add3A_287 = arith.addi %mul3A_173, %add3A_286 : vector<16xi32>
    %gather3A_288 = tpu.vector_load_idx %arg7[%add3A_287] masked %lt3A_157 : memref<100xf32, #tpu.memory_space<vmem>>[vector<16xi32>], vector<16xf32>, vector<16xi1>
    %add3A_289 = arith.constant 9 : i32
    %add3A_290 = vector.broadcast %add3A_289 : i32 to vector<16xi32>
    %add3A_291 = arith.addi %mul3A_176, %add3A_290 : vector<16xi32>
    %gather3A_292 = tpu.vector_load_idx %arg8[%add3A_291] masked %lt3A_157 : memref<30xf32, #tpu.memory_space<vmem>>[vector<16xi32>], vector<16xf32>, vector<16xi1>
    %add3A_293 = arith.constant 288 : i32
    %add3A_294 = vector.broadcast %add3A_293 : i32 to vector<16xi32>
    %add3A_295 = arith.addi %add3A_154, %add3A_294 : vector<16xi32>
    %add3A_296 = arith.addf %gather3A_288, %gather3A_292 : vector<16xf32>
    tpu.vector_store_idx %arg9[%add3A_295], %add3A_296 masked %lt3A_157 : memref<320xf32, #tpu.memory_space<vmem>>[vector<16xi32>], vector<16xf32>, vector<16xi1>
    %parallel_loop3A = arith.constant 0 : i32
    %parallel_loop3A_297 = arith.constant 32 : i32
    %parallel_loop3A_298 = arith.constant 1 : i32
    scf.for %parallel_loop3A_299 = %parallel_loop3A to %parallel_loop3A_297 step %parallel_loop3A_298  : i32 {
      %parallel_loop3A_300 = arith.constant 16 : i32
      %parallel_loop3A_301 = arith.muli %parallel_loop3A_299, %parallel_loop3A_300 : i32
      %parallel_loop3A_302 = vector.broadcast %parallel_loop3A_301 : i32 to vector<16xi32>
      %parallel_loop3A_303 = arith.addi %parallel_loop3A_302, %iota3A : vector<16xi32>
      %parallel_loop3A_304 = arith.constant 0 : i32
      %parallel_loop3A_305 = vector.broadcast %parallel_loop3A_304 : i32 to vector<16xi32>
      %parallel_loop3A_306 = arith.addi %parallel_loop3A_303, %parallel_loop3A_305 : vector<16xi32>
      %parallel_loop3A_307 = tpu.vector_load_idx %arg6[%parallel_loop3A_306] : memref<1536xi32, #tpu.memory_space<vmem>>[vector<16xi32>], vector<16xi32>,
      %parallel_loop3A_308 = arith.constant 0 : i32
      %parallel_loop3A_309 = vector.broadcast %parallel_loop3A_308 : i32 to vector<16xi32>
      %parallel_loop3A_310 = arith.addi %parallel_loop3A_307, %parallel_loop3A_309 : vector<16xi32>
      %parallel_loop3A_311 = arith.constant 0 : i32
      %parallel_loop3A_312 = vector.broadcast %parallel_loop3A_311 : i32 to vector<16xi32>
      %parallel_loop3A_313 = arith.addi %parallel_loop3A_310, %parallel_loop3A_312 : vector<16xi32>
      %parallel_loop3A_314 = tpu.vector_load_idx %arg9[%parallel_loop3A_313] : memref<320xf32, #tpu.memory_space<vmem>>[vector<16xi32>], vector<16xf32>,
      %parallel_loop3A_315 = arith.constant 0 : i32
      %parallel_loop3A_316 = vector.broadcast %parallel_loop3A_315 : i32 to vector<16xi32>
      %parallel_loop3A_317 = arith.addi %parallel_loop3A_316, %parallel_loop3A_303 : vector<16xi32>
      tpu.vector_store_idx %arg10[%mul3A_11, %parallel_loop3A_317], %parallel_loop3A_314 : memref<30x512xf32, #tpu.memory_space<vmem>>[vector<16xi32>, vector<16xi32>], vector<16xf32>,
      %parallel_loop3A_318 = arith.constant 32 : i32
      %parallel_loop3A_319 = vector.broadcast %parallel_loop3A_318 : i32 to vector<16xi32>
      %parallel_loop3A_320 = arith.addi %parallel_loop3A_310, %parallel_loop3A_319 : vector<16xi32>
      %parallel_loop3A_321 = tpu.vector_load_idx %arg9[%parallel_loop3A_320] : memref<320xf32, #tpu.memory_space<vmem>>[vector<16xi32>], vector<16xf32>,
      %parallel_loop3A_322 = arith.constant 512 : i32
      %parallel_loop3A_323 = vector.broadcast %parallel_loop3A_322 : i32 to vector<16xi32>
      %parallel_loop3A_324 = arith.addi %parallel_loop3A_323, %parallel_loop3A_303 : vector<16xi32>
      tpu.vector_store_idx %arg10[%mul3A_11, %parallel_loop3A_324], %parallel_loop3A_321 : memref<30x512xf32, #tpu.memory_space<vmem>>[vector<16xi32>, vector<16xi32>], vector<16xf32>,
      %parallel_loop3A_325 = arith.constant 64 : i32
      %parallel_loop3A_326 = vector.broadcast %parallel_loop3A_325 : i32 to vector<16xi32>
      %parallel_loop3A_327 = arith.addi %parallel_loop3A_310, %parallel_loop3A_326 : vector<16xi32>
      %parallel_loop3A_328 = tpu.vector_load_idx %arg9[%parallel_loop3A_327] : memref<320xf32, #tpu.memory_space<vmem>>[vector<16xi32>], vector<16xf32>,
      %parallel_loop3A_329 = arith.constant 1024 : i32
      %parallel_loop3A_330 = vector.broadcast %parallel_loop3A_329 : i32 to vector<16xi32>
      %parallel_loop3A_331 = arith.addi %parallel_loop3A_330, %parallel_loop3A_303 : vector<16xi32>
      tpu.vector_store_idx %arg10[%mul3A_11, %parallel_loop3A_331], %parallel_loop3A_328 : memref<30x512xf32, #tpu.memory_space<vmem>>[vector<16xi32>, vector<16xi32>], vector<16xf32>,
      %parallel_loop3A_332 = arith.constant 96 : i32
      %parallel_loop3A_333 = vector.broadcast %parallel_loop3A_332 : i32 to vector<16xi32>
      %parallel_loop3A_334 = arith.addi %parallel_loop3A_310, %parallel_loop3A_333 : vector<16xi32>
      %parallel_loop3A_335 = tpu.vector_load_idx %arg9[%parallel_loop3A_334] : memref<320xf32, #tpu.memory_space<vmem>>[vector<16xi32>], vector<16xf32>,
      %parallel_loop3A_336 = arith.constant 1536 : i32
      %parallel_loop3A_337 = vector.broadcast %parallel_loop3A_336 : i32 to vector<16xi32>
      %parallel_loop3A_338 = arith.addi %parallel_loop3A_337, %parallel_loop3A_303 : vector<16xi32>
      tpu.vector_store_idx %arg10[%mul3A_11, %parallel_loop3A_338], %parallel_loop3A_335 : memref<30x512xf32, #tpu.memory_space<vmem>>[vector<16xi32>, vector<16xi32>], vector<16xf32>,
      %parallel_loop3A_339 = arith.constant 128 : i32
      %parallel_loop3A_340 = vector.broadcast %parallel_loop3A_339 : i32 to vector<16xi32>
      %parallel_loop3A_341 = arith.addi %parallel_loop3A_310, %parallel_loop3A_340 : vector<16xi32>
      %parallel_loop3A_342 = tpu.vector_load_idx %arg9[%parallel_loop3A_341] : memref<320xf32, #tpu.memory_space<vmem>>[vector<16xi32>], vector<16xf32>,
      %parallel_loop3A_343 = arith.constant 2048 : i32
      %parallel_loop3A_344 = vector.broadcast %parallel_loop3A_343 : i32 to vector<16xi32>
      %parallel_loop3A_345 = arith.addi %parallel_loop3A_344, %parallel_loop3A_303 : vector<16xi32>
      tpu.vector_store_idx %arg10[%mul3A_11, %parallel_loop3A_345], %parallel_loop3A_342 : memref<30x512xf32, #tpu.memory_space<vmem>>[vector<16xi32>, vector<16xi32>], vector<16xf32>,
      %parallel_loop3A_346 = arith.constant 160 : i32
      %parallel_loop3A_347 = vector.broadcast %parallel_loop3A_346 : i32 to vector<16xi32>
      %parallel_loop3A_348 = arith.addi %parallel_loop3A_310, %parallel_loop3A_347 : vector<16xi32>
      %parallel_loop3A_349 = tpu.vector_load_idx %arg9[%parallel_loop3A_348] : memref<320xf32, #tpu.memory_space<vmem>>[vector<16xi32>], vector<16xf32>,
      %parallel_loop3A_350 = arith.constant 2560 : i32
      %parallel_loop3A_351 = vector.broadcast %parallel_loop3A_350 : i32 to vector<16xi32>
      %parallel_loop3A_352 = arith.addi %parallel_loop3A_351, %parallel_loop3A_303 : vector<16xi32>
      tpu.vector_store_idx %arg10[%mul3A_11, %parallel_loop3A_352], %parallel_loop3A_349 : memref<30x512xf32, #tpu.memory_space<vmem>>[vector<16xi32>, vector<16xi32>], vector<16xf32>,
      %parallel_loop3A_353 = arith.constant 192 : i32
      %parallel_loop3A_354 = vector.broadcast %parallel_loop3A_353 : i32 to vector<16xi32>
      %parallel_loop3A_355 = arith.addi %parallel_loop3A_310, %parallel_loop3A_354 : vector<16xi32>
      %parallel_loop3A_356 = tpu.vector_load_idx %arg9[%parallel_loop3A_355] : memref<320xf32, #tpu.memory_space<vmem>>[vector<16xi32>], vector<16xf32>,
      %parallel_loop3A_357 = arith.constant 3072 : i32
      %parallel_loop3A_358 = vector.broadcast %parallel_loop3A_357 : i32 to vector<16xi32>
      %parallel_loop3A_359 = arith.addi %parallel_loop3A_358, %parallel_loop3A_303 : vector<16xi32>
      tpu.vector_store_idx %arg10[%mul3A_11, %parallel_loop3A_359], %parallel_loop3A_356 : memref<30x512xf32, #tpu.memory_space<vmem>>[vector<16xi32>, vector<16xi32>], vector<16xf32>,
      %parallel_loop3A_360 = arith.constant 224 : i32
      %parallel_loop3A_361 = vector.broadcast %parallel_loop3A_360 : i32 to vector<16xi32>
      %parallel_loop3A_362 = arith.addi %parallel_loop3A_310, %parallel_loop3A_361 : vector<16xi32>
      %parallel_loop3A_363 = tpu.vector_load_idx %arg9[%parallel_loop3A_362] : memref<320xf32, #tpu.memory_space<vmem>>[vector<16xi32>], vector<16xf32>,
      %parallel_loop3A_364 = arith.constant 3584 : i32
      %parallel_loop3A_365 = vector.broadcast %parallel_loop3A_364 : i32 to vector<16xi32>
      %parallel_loop3A_366 = arith.addi %parallel_loop3A_365, %parallel_loop3A_303 : vector<16xi32>
      tpu.vector_store_idx %arg10[%mul3A_11, %parallel_loop3A_366], %parallel_loop3A_363 : memref<30x512xf32, #tpu.memory_space<vmem>>[vector<16xi32>, vector<16xi32>], vector<16xf32>,
      %parallel_loop3A_367 = arith.constant 256 : i32
      %parallel_loop3A_368 = vector.broadcast %parallel_loop3A_367 : i32 to vector<16xi32>
      %parallel_loop3A_369 = arith.addi %parallel_loop3A_310, %parallel_loop3A_368 : vector<16xi32>
      %parallel_loop3A_370 = tpu.vector_load_idx %arg9[%parallel_loop3A_369] : memref<320xf32, #tpu.memory_space<vmem>>[vector<16xi32>], vector<16xf32>,
      %parallel_loop3A_371 = arith.constant 4096 : i32
      %parallel_loop3A_372 = vector.broadcast %parallel_loop3A_371 : i32 to vector<16xi32>
      %parallel_loop3A_373 = arith.addi %parallel_loop3A_372, %parallel_loop3A_303 : vector<16xi32>
      tpu.vector_store_idx %arg10[%mul3A_11, %parallel_loop3A_373], %parallel_loop3A_370 : memref<30x512xf32, #tpu.memory_space<vmem>>[vector<16xi32>, vector<16xi32>], vector<16xf32>,
      %parallel_loop3A_374 = arith.constant 288 : i32
      %parallel_loop3A_375 = vector.broadcast %parallel_loop3A_374 : i32 to vector<16xi32>
      %parallel_loop3A_376 = arith.addi %parallel_loop3A_310, %parallel_loop3A_375 : vector<16xi32>
      %parallel_loop3A_377 = tpu.vector_load_idx %arg9[%parallel_loop3A_376] : memref<320xf32, #tpu.memory_space<vmem>>[vector<16xi32>], vector<16xf32>,
      %parallel_loop3A_378 = arith.constant 4608 : i32
      %parallel_loop3A_379 = vector.broadcast %parallel_loop3A_378 : i32 to vector<16xi32>
      %parallel_loop3A_380 = arith.addi %parallel_loop3A_379, %parallel_loop3A_303 : vector<16xi32>
      tpu.vector_store_idx %arg10[%mul3A_11, %parallel_loop3A_380], %parallel_loop3A_377 : memref<30x512xf32, #tpu.memory_space<vmem>>[vector<16xi32>, vector<16xi32>], vector<16xf32>,
      %parallel_loop3A_381 = arith.constant 512 : i32
      %parallel_loop3A_382 = vector.broadcast %parallel_loop3A_381 : i32 to vector<16xi32>
      %parallel_loop3A_383 = arith.addi %parallel_loop3A_303, %parallel_loop3A_382 : vector<16xi32>
      %parallel_loop3A_384 = tpu.vector_load_idx %arg6[%parallel_loop3A_383] : memref<1536xi32, #tpu.memory_space<vmem>>[vector<16xi32>], vector<16xi32>,
      %parallel_loop3A_385 = arith.constant 10 : i32
      %parallel_loop3A_386 = vector.broadcast %parallel_loop3A_385 : i32 to vector<16xi32>
      %parallel_loop3A_387 = arith.addi %parallel_loop3A_384, %parallel_loop3A_386 : vector<16xi32>
      %parallel_loop3A_388 = arith.constant 0 : i32
      %parallel_loop3A_389 = vector.broadcast %parallel_loop3A_388 : i32 to vector<16xi32>
      %parallel_loop3A_390 = arith.addi %parallel_loop3A_387, %parallel_loop3A_389 : vector<16xi32>
      %parallel_loop3A_391 = tpu.vector_load_idx %arg9[%parallel_loop3A_390] : memref<320xf32, #tpu.memory_space<vmem>>[vector<16xi32>], vector<16xf32>,
      %parallel_loop3A_392 = arith.constant 5120 : i32
      %parallel_loop3A_393 = vector.broadcast %parallel_loop3A_392 : i32 to vector<16xi32>
      %parallel_loop3A_394 = arith.addi %parallel_loop3A_393, %parallel_loop3A_303 : vector<16xi32>
      tpu.vector_store_idx %arg10[%mul3A_11, %parallel_loop3A_394], %parallel_loop3A_391 : memref<30x512xf32, #tpu.memory_space<vmem>>[vector<16xi32>, vector<16xi32>], vector<16xf32>,
      %parallel_loop3A_395 = arith.constant 32 : i32
      %parallel_loop3A_396 = vector.broadcast %parallel_loop3A_395 : i32 to vector<16xi32>
      %parallel_loop3A_397 = arith.addi %parallel_loop3A_387, %parallel_loop3A_396 : vector<16xi32>
      %parallel_loop3A_398 = tpu.vector_load_idx %arg9[%parallel_loop3A_397] : memref<320xf32, #tpu.memory_space<vmem>>[vector<16xi32>], vector<16xf32>,
      %parallel_loop3A_399 = arith.constant 5632 : i32
      %parallel_loop3A_400 = vector.broadcast %parallel_loop3A_399 : i32 to vector<16xi32>
      %parallel_loop3A_401 = arith.addi %parallel_loop3A_400, %parallel_loop3A_303 : vector<16xi32>
      tpu.vector_store_idx %arg10[%mul3A_11, %parallel_loop3A_401], %parallel_loop3A_398 : memref<30x512xf32, #tpu.memory_space<vmem>>[vector<16xi32>, vector<16xi32>], vector<16xf32>,
      %parallel_loop3A_402 = arith.constant 64 : i32
      %parallel_loop3A_403 = vector.broadcast %parallel_loop3A_402 : i32 to vector<16xi32>
      %parallel_loop3A_404 = arith.addi %parallel_loop3A_387, %parallel_loop3A_403 : vector<16xi32>
      %parallel_loop3A_405 = tpu.vector_load_idx %arg9[%parallel_loop3A_404] : memref<320xf32, #tpu.memory_space<vmem>>[vector<16xi32>], vector<16xf32>,
      %parallel_loop3A_406 = arith.constant 6144 : i32
      %parallel_loop3A_407 = vector.broadcast %parallel_loop3A_406 : i32 to vector<16xi32>
      %parallel_loop3A_408 = arith.addi %parallel_loop3A_407, %parallel_loop3A_303 : vector<16xi32>
      tpu.vector_store_idx %arg10[%mul3A_11, %parallel_loop3A_408], %parallel_loop3A_405 : memref<30x512xf32, #tpu.memory_space<vmem>>[vector<16xi32>, vector<16xi32>], vector<16xf32>,
      %parallel_loop3A_409 = arith.constant 96 : i32
      %parallel_loop3A_410 = vector.broadcast %parallel_loop3A_409 : i32 to vector<16xi32>
      %parallel_loop3A_411 = arith.addi %parallel_loop3A_387, %parallel_loop3A_410 : vector<16xi32>
      %parallel_loop3A_412 = tpu.vector_load_idx %arg9[%parallel_loop3A_411] : memref<320xf32, #tpu.memory_space<vmem>>[vector<16xi32>], vector<16xf32>,
      %parallel_loop3A_413 = arith.constant 6656 : i32
      %parallel_loop3A_414 = vector.broadcast %parallel_loop3A_413 : i32 to vector<16xi32>
      %parallel_loop3A_415 = arith.addi %parallel_loop3A_414, %parallel_loop3A_303 : vector<16xi32>
      tpu.vector_store_idx %arg10[%mul3A_11, %parallel_loop3A_415], %parallel_loop3A_412 : memref<30x512xf32, #tpu.memory_space<vmem>>[vector<16xi32>, vector<16xi32>], vector<16xf32>,
      %parallel_loop3A_416 = arith.constant 128 : i32
      %parallel_loop3A_417 = vector.broadcast %parallel_loop3A_416 : i32 to vector<16xi32>
      %parallel_loop3A_418 = arith.addi %parallel_loop3A_387, %parallel_loop3A_417 : vector<16xi32>
      %parallel_loop3A_419 = tpu.vector_load_idx %arg9[%parallel_loop3A_418] : memref<320xf32, #tpu.memory_space<vmem>>[vector<16xi32>], vector<16xf32>,
      %parallel_loop3A_420 = arith.constant 7168 : i32
      %parallel_loop3A_421 = vector.broadcast %parallel_loop3A_420 : i32 to vector<16xi32>
      %parallel_loop3A_422 = arith.addi %parallel_loop3A_421, %parallel_loop3A_303 : vector<16xi32>
      tpu.vector_store_idx %arg10[%mul3A_11, %parallel_loop3A_422], %parallel_loop3A_419 : memref<30x512xf32, #tpu.memory_space<vmem>>[vector<16xi32>, vector<16xi32>], vector<16xf32>,
      %parallel_loop3A_423 = arith.constant 160 : i32
      %parallel_loop3A_424 = vector.broadcast %parallel_loop3A_423 : i32 to vector<16xi32>
      %parallel_loop3A_425 = arith.addi %parallel_loop3A_387, %parallel_loop3A_424 : vector<16xi32>
      %parallel_loop3A_426 = tpu.vector_load_idx %arg9[%parallel_loop3A_425] : memref<320xf32, #tpu.memory_space<vmem>>[vector<16xi32>], vector<16xf32>,
      %parallel_loop3A_427 = arith.constant 7680 : i32
      %parallel_loop3A_428 = vector.broadcast %parallel_loop3A_427 : i32 to vector<16xi32>
      %parallel_loop3A_429 = arith.addi %parallel_loop3A_428, %parallel_loop3A_303 : vector<16xi32>
      tpu.vector_store_idx %arg10[%mul3A_11, %parallel_loop3A_429], %parallel_loop3A_426 : memref<30x512xf32, #tpu.memory_space<vmem>>[vector<16xi32>, vector<16xi32>], vector<16xf32>,
      %parallel_loop3A_430 = arith.constant 192 : i32
      %parallel_loop3A_431 = vector.broadcast %parallel_loop3A_430 : i32 to vector<16xi32>
      %parallel_loop3A_432 = arith.addi %parallel_loop3A_387, %parallel_loop3A_431 : vector<16xi32>
      %parallel_loop3A_433 = tpu.vector_load_idx %arg9[%parallel_loop3A_432] : memref<320xf32, #tpu.memory_space<vmem>>[vector<16xi32>], vector<16xf32>,
      %parallel_loop3A_434 = arith.constant 8192 : i32
      %parallel_loop3A_435 = vector.broadcast %parallel_loop3A_434 : i32 to vector<16xi32>
      %parallel_loop3A_436 = arith.addi %parallel_loop3A_435, %parallel_loop3A_303 : vector<16xi32>
      tpu.vector_store_idx %arg10[%mul3A_11, %parallel_loop3A_436], %parallel_loop3A_433 : memref<30x512xf32, #tpu.memory_space<vmem>>[vector<16xi32>, vector<16xi32>], vector<16xf32>,
      %parallel_loop3A_437 = arith.constant 224 : i32
      %parallel_loop3A_438 = vector.broadcast %parallel_loop3A_437 : i32 to vector<16xi32>
      %parallel_loop3A_439 = arith.addi %parallel_loop3A_387, %parallel_loop3A_438 : vector<16xi32>
      %parallel_loop3A_440 = tpu.vector_load_idx %arg9[%parallel_loop3A_439] : memref<320xf32, #tpu.memory_space<vmem>>[vector<16xi32>], vector<16xf32>,
      %parallel_loop3A_441 = arith.constant 8704 : i32
      %parallel_loop3A_442 = vector.broadcast %parallel_loop3A_441 : i32 to vector<16xi32>
      %parallel_loop3A_443 = arith.addi %parallel_loop3A_442, %parallel_loop3A_303 : vector<16xi32>
      tpu.vector_store_idx %arg10[%mul3A_11, %parallel_loop3A_443], %parallel_loop3A_440 : memref<30x512xf32, #tpu.memory_space<vmem>>[vector<16xi32>, vector<16xi32>], vector<16xf32>,
      %parallel_loop3A_444 = arith.constant 256 : i32
      %parallel_loop3A_445 = vector.broadcast %parallel_loop3A_444 : i32 to vector<16xi32>
      %parallel_loop3A_446 = arith.addi %parallel_loop3A_387, %parallel_loop3A_445 : vector<16xi32>
      %parallel_loop3A_447 = tpu.vector_load_idx %arg9[%parallel_loop3A_446] : memref<320xf32, #tpu.memory_space<vmem>>[vector<16xi32>], vector<16xf32>,
      %parallel_loop3A_448 = arith.constant 9216 : i32
      %parallel_loop3A_449 = vector.broadcast %parallel_loop3A_448 : i32 to vector<16xi32>
      %parallel_loop3A_450 = arith.addi %parallel_loop3A_449, %parallel_loop3A_303 : vector<16xi32>
      tpu.vector_store_idx %arg10[%mul3A_11, %parallel_loop3A_450], %parallel_loop3A_447 : memref<30x512xf32, #tpu.memory_space<vmem>>[vector<16xi32>, vector<16xi32>], vector<16xf32>,
      %parallel_loop3A_451 = arith.constant 288 : i32
      %parallel_loop3A_452 = vector.broadcast %parallel_loop3A_451 : i32 to vector<16xi32>
      %parallel_loop3A_453 = arith.addi %parallel_loop3A_387, %parallel_loop3A_452 : vector<16xi32>
      %parallel_loop3A_454 = tpu.vector_load_idx %arg9[%parallel_loop3A_453] : memref<320xf32, #tpu.memory_space<vmem>>[vector<16xi32>], vector<16xf32>,
      %parallel_loop3A_455 = arith.constant 9728 : i32
      %parallel_loop3A_456 = vector.broadcast %parallel_loop3A_455 : i32 to vector<16xi32>
      %parallel_loop3A_457 = arith.addi %parallel_loop3A_456, %parallel_loop3A_303 : vector<16xi32>
      tpu.vector_store_idx %arg10[%mul3A_11, %parallel_loop3A_457], %parallel_loop3A_454 : memref<30x512xf32, #tpu.memory_space<vmem>>[vector<16xi32>, vector<16xi32>], vector<16xf32>,
      %parallel_loop3A_458 = arith.constant 1024 : i32
      %parallel_loop3A_459 = vector.broadcast %parallel_loop3A_458 : i32 to vector<16xi32>
      %parallel_loop3A_460 = arith.addi %parallel_loop3A_303, %parallel_loop3A_459 : vector<16xi32>
      %parallel_loop3A_461 = tpu.vector_load_idx %arg6[%parallel_loop3A_460] : memref<1536xi32, #tpu.memory_space<vmem>>[vector<16xi32>], vector<16xi32>,
      %parallel_loop3A_462 = arith.constant 20 : i32
      %parallel_loop3A_463 = vector.broadcast %parallel_loop3A_462 : i32 to vector<16xi32>
      %parallel_loop3A_464 = arith.addi %parallel_loop3A_461, %parallel_loop3A_463 : vector<16xi32>
      %parallel_loop3A_465 = arith.constant 0 : i32
      %parallel_loop3A_466 = vector.broadcast %parallel_loop3A_465 : i32 to vector<16xi32>
      %parallel_loop3A_467 = arith.addi %parallel_loop3A_464, %parallel_loop3A_466 : vector<16xi32>
      %parallel_loop3A_468 = tpu.vector_load_idx %arg9[%parallel_loop3A_467] : memref<320xf32, #tpu.memory_space<vmem>>[vector<16xi32>], vector<16xf32>,
      %parallel_loop3A_469 = arith.constant 10240 : i32
      %parallel_loop3A_470 = vector.broadcast %parallel_loop3A_469 : i32 to vector<16xi32>
      %parallel_loop3A_471 = arith.addi %parallel_loop3A_470, %parallel_loop3A_303 : vector<16xi32>
      tpu.vector_store_idx %arg10[%mul3A_11, %parallel_loop3A_471], %parallel_loop3A_468 : memref<30x512xf32, #tpu.memory_space<vmem>>[vector<16xi32>, vector<16xi32>], vector<16xf32>,
      %parallel_loop3A_472 = arith.constant 32 : i32
      %parallel_loop3A_473 = vector.broadcast %parallel_loop3A_472 : i32 to vector<16xi32>
      %parallel_loop3A_474 = arith.addi %parallel_loop3A_464, %parallel_loop3A_473 : vector<16xi32>
      %parallel_loop3A_475 = tpu.vector_load_idx %arg9[%parallel_loop3A_474] : memref<320xf32, #tpu.memory_space<vmem>>[vector<16xi32>], vector<16xf32>,
      %parallel_loop3A_476 = arith.constant 10752 : i32
      %parallel_loop3A_477 = vector.broadcast %parallel_loop3A_476 : i32 to vector<16xi32>
      %parallel_loop3A_478 = arith.addi %parallel_loop3A_477, %parallel_loop3A_303 : vector<16xi32>
      tpu.vector_store_idx %arg10[%mul3A_11, %parallel_loop3A_478], %parallel_loop3A_475 : memref<30x512xf32, #tpu.memory_space<vmem>>[vector<16xi32>, vector<16xi32>], vector<16xf32>,
      %parallel_loop3A_479 = arith.constant 64 : i32
      %parallel_loop3A_480 = vector.broadcast %parallel_loop3A_479 : i32 to vector<16xi32>
      %parallel_loop3A_481 = arith.addi %parallel_loop3A_464, %parallel_loop3A_480 : vector<16xi32>
      %parallel_loop3A_482 = tpu.vector_load_idx %arg9[%parallel_loop3A_481] : memref<320xf32, #tpu.memory_space<vmem>>[vector<16xi32>], vector<16xf32>,
      %parallel_loop3A_483 = arith.constant 11264 : i32
      %parallel_loop3A_484 = vector.broadcast %parallel_loop3A_483 : i32 to vector<16xi32>
      %parallel_loop3A_485 = arith.addi %parallel_loop3A_484, %parallel_loop3A_303 : vector<16xi32>
      tpu.vector_store_idx %arg10[%mul3A_11, %parallel_loop3A_485], %parallel_loop3A_482 : memref<30x512xf32, #tpu.memory_space<vmem>>[vector<16xi32>, vector<16xi32>], vector<16xf32>,
      %parallel_loop3A_486 = arith.constant 96 : i32
      %parallel_loop3A_487 = vector.broadcast %parallel_loop3A_486 : i32 to vector<16xi32>
      %parallel_loop3A_488 = arith.addi %parallel_loop3A_464, %parallel_loop3A_487 : vector<16xi32>
      %parallel_loop3A_489 = tpu.vector_load_idx %arg9[%parallel_loop3A_488] : memref<320xf32, #tpu.memory_space<vmem>>[vector<16xi32>], vector<16xf32>,
      %parallel_loop3A_490 = arith.constant 11776 : i32
      %parallel_loop3A_491 = vector.broadcast %parallel_loop3A_490 : i32 to vector<16xi32>
      %parallel_loop3A_492 = arith.addi %parallel_loop3A_491, %parallel_loop3A_303 : vector<16xi32>
      tpu.vector_store_idx %arg10[%mul3A_11, %parallel_loop3A_492], %parallel_loop3A_489 : memref<30x512xf32, #tpu.memory_space<vmem>>[vector<16xi32>, vector<16xi32>], vector<16xf32>,
      %parallel_loop3A_493 = arith.constant 128 : i32
      %parallel_loop3A_494 = vector.broadcast %parallel_loop3A_493 : i32 to vector<16xi32>
      %parallel_loop3A_495 = arith.addi %parallel_loop3A_464, %parallel_loop3A_494 : vector<16xi32>
      %parallel_loop3A_496 = tpu.vector_load_idx %arg9[%parallel_loop3A_495] : memref<320xf32, #tpu.memory_space<vmem>>[vector<16xi32>], vector<16xf32>,
      %parallel_loop3A_497 = arith.constant 12288 : i32
      %parallel_loop3A_498 = vector.broadcast %parallel_loop3A_497 : i32 to vector<16xi32>
      %parallel_loop3A_499 = arith.addi %parallel_loop3A_498, %parallel_loop3A_303 : vector<16xi32>
      tpu.vector_store_idx %arg10[%mul3A_11, %parallel_loop3A_499], %parallel_loop3A_496 : memref<30x512xf32, #tpu.memory_space<vmem>>[vector<16xi32>, vector<16xi32>], vector<16xf32>,
      %parallel_loop3A_500 = arith.constant 160 : i32
      %parallel_loop3A_501 = vector.broadcast %parallel_loop3A_500 : i32 to vector<16xi32>
      %parallel_loop3A_502 = arith.addi %parallel_loop3A_464, %parallel_loop3A_501 : vector<16xi32>
      %parallel_loop3A_503 = tpu.vector_load_idx %arg9[%parallel_loop3A_502] : memref<320xf32, #tpu.memory_space<vmem>>[vector<16xi32>], vector<16xf32>,
      %parallel_loop3A_504 = arith.constant 12800 : i32
      %parallel_loop3A_505 = vector.broadcast %parallel_loop3A_504 : i32 to vector<16xi32>
      %parallel_loop3A_506 = arith.addi %parallel_loop3A_505, %parallel_loop3A_303 : vector<16xi32>
      tpu.vector_store_idx %arg10[%mul3A_11, %parallel_loop3A_506], %parallel_loop3A_503 : memref<30x512xf32, #tpu.memory_space<vmem>>[vector<16xi32>, vector<16xi32>], vector<16xf32>,
      %parallel_loop3A_507 = arith.constant 192 : i32
      %parallel_loop3A_508 = vector.broadcast %parallel_loop3A_507 : i32 to vector<16xi32>
      %parallel_loop3A_509 = arith.addi %parallel_loop3A_464, %parallel_loop3A_508 : vector<16xi32>
      %parallel_loop3A_510 = tpu.vector_load_idx %arg9[%parallel_loop3A_509] : memref<320xf32, #tpu.memory_space<vmem>>[vector<16xi32>], vector<16xf32>,
      %parallel_loop3A_511 = arith.constant 13312 : i32
      %parallel_loop3A_512 = vector.broadcast %parallel_loop3A_511 : i32 to vector<16xi32>
      %parallel_loop3A_513 = arith.addi %parallel_loop3A_512, %parallel_loop3A_303 : vector<16xi32>
      tpu.vector_store_idx %arg10[%mul3A_11, %parallel_loop3A_513], %parallel_loop3A_510 : memref<30x512xf32, #tpu.memory_space<vmem>>[vector<16xi32>, vector<16xi32>], vector<16xf32>,
      %parallel_loop3A_514 = arith.constant 224 : i32
      %parallel_loop3A_515 = vector.broadcast %parallel_loop3A_514 : i32 to vector<16xi32>
      %parallel_loop3A_516 = arith.addi %parallel_loop3A_464, %parallel_loop3A_515 : vector<16xi32>
      %parallel_loop3A_517 = tpu.vector_load_idx %arg9[%parallel_loop3A_516] : memref<320xf32, #tpu.memory_space<vmem>>[vector<16xi32>], vector<16xf32>,
      %parallel_loop3A_518 = arith.constant 13824 : i32
      %parallel_loop3A_519 = vector.broadcast %parallel_loop3A_518 : i32 to vector<16xi32>
      %parallel_loop3A_520 = arith.addi %parallel_loop3A_519, %parallel_loop3A_303 : vector<16xi32>
      tpu.vector_store_idx %arg10[%mul3A_11, %parallel_loop3A_520], %parallel_loop3A_517 : memref<30x512xf32, #tpu.memory_space<vmem>>[vector<16xi32>, vector<16xi32>], vector<16xf32>,
      %parallel_loop3A_521 = arith.constant 256 : i32
      %parallel_loop3A_522 = vector.broadcast %parallel_loop3A_521 : i32 to vector<16xi32>
      %parallel_loop3A_523 = arith.addi %parallel_loop3A_464, %parallel_loop3A_522 : vector<16xi32>
      %parallel_loop3A_524 = tpu.vector_load_idx %arg9[%parallel_loop3A_523] : memref<320xf32, #tpu.memory_space<vmem>>[vector<16xi32>], vector<16xf32>,
      %parallel_loop3A_525 = arith.constant 14336 : i32
      %parallel_loop3A_526 = vector.broadcast %parallel_loop3A_525 : i32 to vector<16xi32>
      %parallel_loop3A_527 = arith.addi %parallel_loop3A_526, %parallel_loop3A_303 : vector<16xi32>
      tpu.vector_store_idx %arg10[%mul3A_11, %parallel_loop3A_527], %parallel_loop3A_524 : memref<30x512xf32, #tpu.memory_space<vmem>>[vector<16xi32>, vector<16xi32>], vector<16xf32>,
      %parallel_loop3A_528 = arith.constant 288 : i32
      %parallel_loop3A_529 = vector.broadcast %parallel_loop3A_528 : i32 to vector<16xi32>
      %parallel_loop3A_530 = arith.addi %parallel_loop3A_464, %parallel_loop3A_529 : vector<16xi32>
      %parallel_loop3A_531 = tpu.vector_load_idx %arg9[%parallel_loop3A_530] : memref<320xf32, #tpu.memory_space<vmem>>[vector<16xi32>], vector<16xf32>,
      %parallel_loop3A_532 = arith.constant 14848 : i32
      %parallel_loop3A_533 = vector.broadcast %parallel_loop3A_532 : i32 to vector<16xi32>
      %parallel_loop3A_534 = arith.addi %parallel_loop3A_533, %parallel_loop3A_303 : vector<16xi32>
      tpu.vector_store_idx %arg10[%mul3A_11, %parallel_loop3A_534], %parallel_loop3A_531 : memref<30x512xf32, #tpu.memory_space<vmem>>[vector<16xi32>, vector<16xi32>], vector<16xf32>,
    } {sc.loop_unroll_factor = 2 : i64, sc.parallel_access}
    "tpu.region"() ({
      %run_scoped3A = tpu.sem_alloc : memref<!tpu.dma_semaphore, #tpu.memory_space<semaphore_mem>>
      %dma_start3A = arith.constant 0 : i32
      %dma_start3A_299 = tpu.memref_slice %arg5[%dma_start3A, %mul3A_2] : memref<30x16384xf32, #tpu.memory_space<hbm>> -> memref<30x512xf32, #tpu.memory_space<hbm>>
      %dma_start3A_300 = arith.constant 0 : i32
      %dma_start3A_301 = tpu.memref_slice %arg5[%dma_start3A_300, %mul3A_2] : memref<30x16384xf32, #tpu.memory_space<hbm>> -> memref<30x512xf32, #tpu.memory_space<hbm>>
      tpu.enqueue_dma source(%arg10 : memref<30x512xf32, #tpu.memory_space<vmem>>) target(%dma_start3A_301 : memref<30x512xf32, #tpu.memory_space<hbm>>) target_semaphore(%run_scoped3A : memref<!tpu.dma_semaphore, #tpu.memory_space<semaphore_mem>>)
      %dma_wait3A = arith.constant 0 : i32
      %dma_wait3A_302 = tpu.memref_slice %arg5[%dma_wait3A, %mul3A_2] : memref<30x16384xf32, #tpu.memory_space<hbm>> -> memref<30x512xf32, #tpu.memory_space<hbm>>
      %dma_wait3A_303 = arith.constant 0 : i32
      %dma_wait3A_304 = tpu.memref_slice %arg5[%dma_wait3A_303, %mul3A_2] : memref<30x16384xf32, #tpu.memory_space<hbm>> -> memref<30x512xf32, #tpu.memory_space<hbm>>
      tpu.wait_dma2 semaphore(%run_scoped3A : memref<!tpu.dma_semaphore, #tpu.memory_space<semaphore_mem>>) src(%arg10 : memref<30x512xf32, #tpu.memory_space<vmem>>) dst(%dma_wait3A_304 : memref<30x512xf32, #tpu.memory_space<hbm>>)
      tpu.yield
    }) : () -> ()
    return
  }
}

</mosaic_0001>

<sc_bundles>
// kernel: kernel.3.cloned.1.call-start
scs
__scs_entry_jumppad:
0x0: {  	(pc) =	sbr.rel $0x88, $3  }
0x1: {  	(tag) =	ssettag $0x0;
	lr =	simm.s32 $0x1  }
0x2: {  	[smem:$0x3F9E] =	sst lr;
	_ =	strace $0xD0000000  }
0x3: {  	_ = 	snop  }
0x4: {  	_ = 	snop  }
0x5: {  	_ = 	snop  }
0x6: {  	_ = 	snop  }
0x7: {  	_ = 	snop  }
__scs_overlays_trampoline_lowered:
0x8: {  	[smem:$0x3FAD] =	sst s0  }
0x9: {  	[smem:$0x3FAE] =	sst s1  }
0xa: {  	[smem:$0x3FAF] =	sst s2  }
0xb: {  	[smem:$0x3FB0] =	sst s3  }
0xc: {  	[smem:$0x3FB1] =	sst s4  }
0xd: {  	[smem:$0x3FB2] =	sst s5  }
0xe: {  	[smem:$0x3FB3] =	sst s6  }
0xf: {  	[smem:$0x3FB4] =	sst s7  }
0x10: {  	[smem:$0x3FB5] =	sst s8  }
0x11: {  	[smem:$0x3FB6] =	sst s9;
	s0 =	simm.s32 @!p0 $0x0  }
0x12: {  	s1 =	sld [smem:$0x3F9C];
	s0 =	simm.s32 @p0 $0x1  }
0x13: {  	[smem:$0x3FB7] =	sst s0;
	s0 =	simm.s32 @!p1 $0x0  }
0x14: {  	s2 =	sld [smem:$0x3F9B];
	s0 =	simm.s32 @p1 $0x1  }
0x15: {  	[smem:$0x3FB8] =	sst s0;
	s0 =	simm.s32 @!p2 $0x0  }
0x16: {  	s3 =	sld [smem:$0x3FDB];
	s0 =	simm.s32 @p2 $0x1  }
0x17: {  	s4 =	simm.s32 $0x1BF5;
	[smem:$0x3FBA] =	sst s0  }
0x18: {  	s0 =	sld [smem:$0x3F9D];
	_ =	swait.ge [sflag:s4], $0x0  }
0x19: {  	s7 =	sld [smem:$0x3F9E]  }
0x1a: {  	s8 =	sadd.s32 $0xFFFFE003, lr  }
0x1b: {  	s9 =	sadd.s32 $0xFFFFFEF7, lr;
	s5 =	simm.s32 $0xFFFFFFFF;
	p2 =	slt.u32 s8, $0xFFFFF086  }
0x1c: {  	p1 =	slt.u32 s9, $0xF7A;
	s5 =	simm.s32 @!p2 $0x0  }
0x1d: {  	s5 =	simm.s32 @p1 $0x1;
	p0 =	seq.s32 s7, s2  }
0x1e: {  	s7 =	smul.u32 @!p0 $0xF7A, s2;
	p2 =	seq.s32 @!p0 s5, $0x0  }
0x1f: {  	s9 =	smul.u32 $0xF7A, s1;
	s8 =	simm.s32 @!p0 $0x1BF5;
	p2 =	por !p2, p0  }
0x20: {  	[sflag:s8] =	ssyncset.s32 @!p0 $0xFFFFF086;
	s6 =	sadd.s32 @!p0 s3, s7;
	s7 =	simm.s32 @!p0 $0x108  }
0x21: {  	s3 =	sadd.s32 s3, s9;
	s6 =	sadd.s32 @!p0 $0x88, s6;
	s7 =	simm.s32 @p2 $0x1082  }
0x22: {  	[simem:s7], [sflag:s8] =	dma.local @!p0 [hbm:s6], $0xF7A  }
0x23: {  	s9 =	sor.u32 $0xD0000000, s2;
	s6 =	simm.s32 $0x108;
	_ =	swait.ge @!p0 [sflag:s8], $0x0  }
0x24: {  	s3 =	sadd.s32 $0x88, s3;
	s6 =	simm.s32 @!p1 $0x1082;
	[sflag:s4] =	ssyncset.s32 $0xFFFFF086  }
0x25: {  	[simem:s6], [sflag:s4] =	dma.local [hbm:s3], $0xF7A  }
0x26: {  	[smem:$0x3F9E] =	sst s1;
	(tag) =	ssettag s2;
	_ =	strace s9  }
0x27: {  	s1 =	sld [smem:$0x3FAE]  }
0x28: {  	s2 =	sld [smem:$0x3FAF]  }
0x29: {  	s4 =	sld [smem:$0x3FB1]  }
0x2a: {  	p0 =	seq.s32 s5, $0x0;
	s5 =	sld [smem:$0x3FB2]  }
0x2b: {  	s6 =	sld [smem:$0x3FB3]  }
0x2c: {  	s7 =	sld [smem:$0x3FB4]  }
0x2d: {  	s3 =	simm.s32 $0x108;
	s8 =	sld [smem:$0x3FB5]  }
0x2e: {  	s3 =	simm.s32 @!p0 $0x1082;
	s9 =	sld [smem:$0x3FB6]  }
0x2f: {  	lr =	sadd.s32 s0, s3;
	s0 =	sld [smem:$0x3FAD]  }
0x30: {  	s3 =	sld [smem:$0x3FB0]  }
0x31: {  	[smem:$0x3FB9] =	sst s10  }
0x32: {  	s10 =	sld [smem:$0x3FB7];
	_ =	sdelay $0x3  }
0x33: {  	p0 =	seq.s32 s10, $0x1;
	s10 =	sld [smem:$0x3FB9];
	_ =	sdelay $0x3  }
0x34: {  	[smem:$0x3FB9] =	sst s10  }
0x35: {  	s10 =	sld [smem:$0x3FB8];
	_ =	sdelay $0x3  }
0x36: {  	p1 =	seq.s32 s10, $0x1;
	s10 =	sld [smem:$0x3FB9];
	_ =	sdelay $0x3  }
0x37: {  	[smem:$0x3FB9] =	sst s10  }
0x38: {  	s10 =	sld [smem:$0x3FBA]  }
0x39: {  	_ = 	snop;
	(pc) =	sbr.ind lr, $3  }
0x3a: {  	_ = 	snop  }
0x3b: {  	_ = 	snop  }
0x3c: {  	p2 =	seq.s32 s10, $0x1;
	s10 =	sld [smem:$0x3FB9]  }
0x3d: {  	_ =	shalt  }
0x3e: {  	_ =	shalt  }
0x3f: {  	_ =	shalt  }
0x40: {  	_ =	shalt  }
0x41: {  	_ =	shalt  }
0x42: {  	_ =	shalt  }
0x43: {  	_ =	shalt  }
0x44: {  	_ =	shalt  }
0x45: {  	_ =	shalt  }
0x46: {  	_ =	shalt  }
0x47: {  	_ =	shalt  }
0x48: {  	_ =	shalt  }
0x49: {  	_ =	shalt  }
0x4a: {  	_ =	shalt  }
0x4b: {  	_ =	shalt  }
0x4c: {  	_ =	shalt  }
0x4d: {  	_ =	shalt  }
0x4e: {  	_ =	shalt  }
0x4f: {  	_ =	shalt  }
0x50: {  	_ =	shalt  }
0x51: {  	_ =	shalt  }
0x52: {  	_ =	shalt  }
0x53: {  	_ =	shalt  }
0x54: {  	_ =	shalt  }
0x55: {  	_ =	shalt  }
0x56: {  	_ =	shalt  }
0x57: {  	_ =	shalt  }
0x58: {  	_ =	shalt  }
0x59: {  	_ =	shalt  }
0x5a: {  	_ =	shalt  }
0x5b: {  	_ =	shalt  }
0x5c: {  	_ =	shalt  }
0x5d: {  	_ =	shalt  }
0x5e: {  	_ =	shalt  }
0x5f: {  	_ =	shalt  }
0x60: {  	_ =	shalt  }
0x61: {  	_ =	shalt  }
0x62: {  	_ =	shalt  }
0x63: {  	_ =	shalt  }
0x64: {  	_ =	shalt  }
0x65: {  	_ =	shalt  }
0x66: {  	_ =	shalt  }
0x67: {  	_ =	shalt  }
0x68: {  	_ =	shalt  }
0x69: {  	_ =	shalt  }
0x6a: {  	_ =	shalt  }
0x6b: {  	_ =	shalt  }
0x6c: {  	_ =	shalt  }
0x6d: {  	_ =	shalt  }
0x6e: {  	_ =	shalt  }
0x6f: {  	_ =	shalt  }
0x70: {  	_ =	shalt  }
0x71: {  	_ =	shalt  }
0x72: {  	_ =	shalt  }
0x73: {  	_ =	shalt  }
0x74: {  	_ =	shalt  }
0x75: {  	_ =	shalt  }
0x76: {  	_ =	shalt  }
0x77: {  	_ =	shalt  }
0x78: {  	_ =	shalt  }
0x79: {  	_ =	shalt  }
0x7a: {  	_ =	shalt  }
0x7b: {  	_ =	shalt  }
0x7c: {  	_ =	shalt  }
0x7d: {  	_ =	shalt  }
0x7e: {  	_ =	shalt  }
0x7f: {  	_ =	shalt  }
0x80: {  	_ =	shalt  }
0x81: {  	_ =	shalt  }
0x82: {  	_ =	shalt  }
0x83: {  	_ =	shalt  }
0x84: {  	_ =	shalt  }
0x85: {  	_ =	shalt  }
0x86: {  	_ =	shalt  }
0x87: {  	_ =	shalt  }
.Lfunc_end0:
.L_simem_size_0:
called_computation_lowered:
.L_overlay_start_0:
0x88: {  	s2 =	sld [smem:$0x3FD9]  }
0x89: {  	s3 =	sld [smem:$0x3FFE];
	_ =	sdelay $0x1  }
0x8a: {  	s1 =	srdreg.scid  }
0x8b: {  	s0 =	sand.u32 $0x1, s1  }
0x8c: {  	s17 =	sshll.u32 s0, $0xA;
	s2 =	sadd.s32 s3, s2  }
0x8d: {  	s2 =	sadd.s32 s2, s17  }
0x8e: {  	[smem:$0x3FC5] =	sst s2  }
0x8f: {  	_ = 	snop  }
0x90: {  	s2 =	sld [smem:$0x3FD0];
	(tm) =	ssettm $0x1  }
0x91: {  	s18 =	sld [smem:$0x3FFB];
	_ =	sdelay $0x3  }
0x92: {  	_ =	strace s18  }
0x93: {  	s3 =	sld [smem:$0x3FFC];
	_ =	sdelay $0x3  }
0x94: {  	_ =	strace s3  }
0x95: {  	s3 =	sld [smem:$0x3FFD];
	_ =	sdelay $0x3  }
0x96: {  	_ =	strace s3  }
0x97: {  	_ =	strace $0x8FFFFFFF  }
0x98: {  	s19 =	sld [smem:$0x3FDB];
	_ =	sdelay $0x1  }
0x99: {  	s4 =	simm.s32 $_scs_section_size  }
0x9a: {  	s5 =	simm.s32 $_size__tile_overlayer_lowered;
	s6 =	simm.s32 $_tile_overlayer_lowered  }
0x9b: {  	s22 =	simm.s32 $0x1BFF;
	s21 =	sshll.u32 s6, $0x1;
	s3 =	sadd.s32 s4, s19  }
0x9c: {  	s7 =	simm.s32 $0x0;
	s20 =	sshll.u32 s5, $0x1;
	s5 =	sadd.s32 s21, s3  }
0x9d: {  	[timem:s7], [sflag:s22] =	dma.local [hbm:s5], s20  }
0x9e: {  	_ =	swait.ge [sflag:s22], s20  }
0x9f: {  	s4 =	ssub.s32 $0x0, s20;
	[sflag:s22] =	ssyncset.done $0x0  }
0xa0: {  	[sflag:s22] =	ssyncadd.s32 s4;
	_ =	sdelay $0x1  }
0xa1: {  	s23 =	simm.s32 $0x1B8B  }
0xa2: {  	_ =	swait.ge [sflag:s23], $0x1  }
0xa3: {  	[sflag:s23] =	ssyncset.done $0x0  }
0xa4: {  	s25 =	simm.s32 $0x1B8E;
	s24 =	sld [smem:$0x3FFE];
	[sflag:s23] =	ssyncadd.s32 $0xFFFFFFFF  }
0xa5: {  	s26 =	simm.s32 $execute0_lowered;
	[smem:$0x3FD2] =	sst s25  }
0xa6: {  	s5 =	sshll.u32 s26, $0x1;
	_ =	strace $0x80000046;
	[dreg:$0x1] =	wrdreg $0xFFFFFFFF  }
0xa7: {  	s28 =	simm.s32 $_size_execute0_lowered;
	s3 =	sadd.s32 s3, s5;
	[dreg:$0x0] =	wrdreg $0x0  }
0xa8: {  	s5 =	sshll.u32 s28, $0x1;
	[dreg:$0x2] =	wrdreg s3  }
0xa9: {  	[dreg:$0x3] =	wrdreg s5  }
0xaa: {  	[dreg:$0x4] =	wrdreg $0xC0  }
0xab: {  	_ =	task [dreg:s7], $0x5FFFF  }
0xac: {  	[dreg:$0x1] =	wrdreg $0xFFFFFFFF  }
0xad: {  	[dreg:$0x0] =	wrdreg $0x60  }
0xae: {  	[dreg:$0x2] =	wrdreg s24  }
0xaf: {  	[dreg:$0x3] =	wrdreg s2  }
0xb0: {  	[dreg:$0x4] =	wrdreg $0x9  }
0xb1: {  	_ =	task.clear_ibuf [dreg:s7], $0x5FFFF;
	_ =	strace $0x90000046  }
0xb2: {  	s29 =	simm.s32 $0x9;
	_ =	strace $0x80000048  }
0xb3: {  	_ =	swait.ge [sflag:s29], $0x1  }
0xb4: {  	[sflag:s29] =	ssyncadd.s32 $0xFFFFFFFF  }
0xb5: {  	_ =	strace $0x90000048  }
0xb6: {  	_ =	sfence  }
0xb7: {  	s30 =	sld [smem:$0x0];
	_ =	sdelay $0x2  }
0xb8: {  	s31 =	sshll.u32 s1, $0xD;
	s1 =	sshrl.u32 s1, $0x2  }
0xb9: {  	s3 =	sand.u32 $0x4000, s31;
	s1 =	sadd.s32 s1, s30  }
0xba: {  	s0 =	sor.u32 s3, s0;
	s1 =	sshll.u32 s1, $0x11  }
0xbb: {  	s0 =	sor.u32 s1, s0  }
0xbc: {  	s0 =	sadd.s32 $0x8F2B, s0  }
0xbd: {  	[sflag:s0] =	ssyncadd.remote.s32 $0x1  }
0xbe: {  	_ =	sfence.sel $0xFFFF  }
0xbf: {  	[dreg:$0x0] =	wrdreg $0xFFFFFFFF;
	(pc) =	sbr.abs _section_cstart, $3  }
0xc0: {  	[dreg:$0x1] =	wrdreg $0xFFFFFFFF  }
0xc1: {  	_ =	task.clear_ibuf [dreg:s7], $0x2FFFF;
	_ =	strace $0x9FFFFFFF  }
0xc2: {  	(tm) =	ssettm $0x7FFFFFFF  }
0xc3: {  	_ =	shalt  }
tec
execute0_lowered:
.L_overlay_start_1:
0x0: {  	(tag) =	ssettag $0x1  }
0x1: {  	v0 =	vimm.s32 $0xA005A50;
	v48 =	vimm.s32 $0x32281E14  }
0x2: {  	v2 =	vimm.s32 $0x1E140A00;
	v3 =	vimm.s32 $0x463C3228;
	vm0 =	vcmask $0x1F10  }
0x3: {  	v49 =	vimm.s32 $0xB015B51;
	vm1 =	vcmask $0x2700;
	v6 =	vimm.s32 $0xA  }
0x4: {  	v50 =	vimm.s32 $0x33291F15;
	v51 =	vimm.s32 $0x1F150B01;
	v8 =	vimm.s32 $0x473D3329  }
0x5: {  	v53 =	vimm.s32 $0xC025C52;
	v57 =	vimm.s32 $0x342A2016;
	v58 =	vimm.s32 $0x20160C02  }
0x6: {  	v59 =	vimm.s32 $0x483E342A;
	v60 =	vimm.s32 $0xB;
	v12 =	vimm.s32 $0xD035D53  }
0x7: {  	v13 =	vimm.s32 $0xC;
	v14 =	vimm.s32 $0x352B2117;
	v15 =	vimm.s32 $0x21170D03  }
0x8: {  	v16 =	vimm.s32 $0x493F352B;
	v18 =	vimm.s32 $0xE045E54;
	v11 =	vimm.s32 $0xD  }
0x9: {  	v21 =	vimm.s32 $0xF055F55;
	v23 =	vimm.s32 $0x372D2319;
	v24 =	vimm.s32 $0x23190F05  }
0xa: {  	v25 =	vimm.s32 $0xE;
	v28 =	vimm.s32 $0x10066056;
	v29 =	vimm.s32 $0xF  }
0xb: {  	v30 =	vimm.s32 $0x382E241A;
	v31 =	vimm.s32 $0x241A1006;
	v32 =	vimm.s32 $0x4C42382E  }
0xc: {  	v34 =	vimm.s32 $0x11076157;
	v37 =	vimm.s32 $0x12086258;
	v39 =	vimm.s32 $0x3A30261C  }
0xd: {  	v40 =	vimm.s32 $0x261C1208;
	v41 =	vimm.s32 $0x11;
	v44 =	vimm.s32 $0x13096359  }
0xe: {  	v45 =	vimm.s32 $0x12;
	v46 =	vimm.s32 $0x3B31271D;
	v47 =	vimm.s32 $0x271D1309  }
0xf: {  	vm15 =	vcmask $0xF00;
	v1 =	vunpack.c.0.s8.s32 v0;
	v4 =	vunpack.c.0.s8.s32 v48  }
0x10: {  	v0 =	vunpack.c.0.s8.s32 v2;
	v2 =	vunpack.c.0.s8.s32 v3;
	v7 =	vunpack.c.0.s8.s32 v49  }
0x11: {  	v9 =	vunpack.c.0.s8.s32 v50;
	v3 =	vunpack.c.0.s8.s32 v8;
	v52 =	vsel vm1, $0x0, v6  }
0x12: {  	v56 =	vunpack.c.0.s8.s32 v53;
	v10 =	vunpack.c.0.s8.s32 v57;
	v8 =	vunpack.c.0.s8.s32 v14  }
0x13: {  	v14 =	vimm.s32 $0x4A40362C;
	v20 =	vsel vm1, $0x3, v11;
	v11 =	vunpack.c.0.s8.s32 v23  }
0x14: {  	v48 =	vimm.s32 $0x4F453B31;
	v50 =	vimm.s32 $0x6E645A50;
	v23 =	vimm.s32 $0x5A50463C  }
0x15: {  	v4 =	vsel vm0, v4, v1;
	v5 =	vsel vm0, v2, v0;
	v1 =	vunpack.c.0.s8.s32 v51  }
0x16: {  	v53 =	vimm.s32 $0x13;
	v57 =	vimm.s32 $0x6F655B51;
	v4 =	vcombine.low v5, v4  }
0x17: {  	v14 =	vunpack.c.0.s8.s32 v14;
	v54 =	vsel vm0, v9, v7;
	v55 =	vsel vm0, v3, v1  }
0x18: {  	v5 =	vunpack.c.0.s8.s32 v59;
	[tilespmem:$0x1FCB0] =	vst v4;
	v4 =	vunpack.c.0.s8.s32 v58;
	v6 =	vcombine.low v55, v54  }
0x19: {  	[tilespmem:$0x1FD40] =	vst v20;
	v20 =	vimm.s32 $0x4D43392F;
	v51 =	vlaneseq.u32;
	v61 =	vsel vm0, v10, v56  }
0x1a: {  	v7 =	vsel vm1, $0x2, v13;
	[tilespmem:$0x1FCD0] =	vst v6;
	v6 =	vsel vm1, $0x1, v60;
	v62 =	vsel vm0, v5, v4  }
0x1b: {  	v9 =	vunpack.c.0.s8.s32 v16;
	v13 =	vimm.s32 $0x22180E04;
	[tilespmem:$0x1FCE0] =	vst v6;
	v6 =	vcombine.low v62, v61  }
0x1c: {  	v10 =	vunpack.c.0.s8.s32 v30;
	v20 =	vunpack.c.0.s8.s32 v20;
	[tilespmem:$0x1FD10] =	vst v7;
	v7 =	vunpack.c.0.s8.s32 v15  }
0x1d: {  	v56 =	vimm.s32 $0x14;
	v30 =	vimm.s32 $0x72685E54;
	[tilespmem:$0x1FD00] =	vst v6;
	v6 =	vunpack.c.0.s8.s32 v12  }
0x1e: {  	v13 =	vunpack.c.0.s8.s32 v13;
	v19 =	vsel vm0, v9, v7;
	v12 =	vimm.s32 $0x362C2218  }
0x1f: {  	v12 =	vunpack.c.0.s8.s32 v12;
	v6 =	vsel vm0, v8, v6;
	v8 =	vunpack.c.0.s8.s32 v18  }
0x20: {  	v17 =	vor.u32 $0x40, v51;
	v15 =	vimm.s32 $0x4B41372D;
	v6 =	vcombine.low v19, v6  }
0x21: {  	v15 =	vunpack.c.0.s8.s32 v15;
	v22 =	vsel vm0, v14, v13;
	v8 =	vsel vm0, v12, v8  }
0x22: {  	v12 =	vunpack.c.0.s8.s32 v24;
	[tilespmem:$0x1FD30] =	vst v6;
	v6 =	vunpack.c.0.s8.s32 v21;
	v8 =	vcombine.low v22, v8  }
0x23: {  	v63 =	vor.u32 $0x20, v51;
	v16 =	vor.u32 $0x60, v51;
	v27 =	vor.u32 $0x80, v51;
	[tilespmem:$0x1FD20] =	vst v17  }
0x24: {  	v26 =	vsel vm0, v15, v12;
	[tilespmem:$0x1FD60] =	vst v8;
	v8 =	vsel vm1, $0x4, v25;
	v6 =	vsel vm0, v11, v6  }
0x25: {  	v33 =	vor.u32 $0xA0, v51;
	[tilespmem:$0x1FD70] =	vst v8;
	v6 =	vcombine.low v26, v6;
	v8 =	vsel vm1, $0x5, v29  }
0x26: {  	v43 =	vor.u32 $0xE0, v51;
	v17 =	vimm.s32 $0x10;
	v18 =	vimm.s32 $0x392F251B;
	[tilespmem:$0x1FDA0] =	vst v8  }
0x27: {  	v11 =	vunpack.c.0.s8.s32 v32;
	v8 =	vunpack.c.0.s8.s32 v31;
	[tilespmem:$0x1FD90] =	vst v6;
	v6 =	vunpack.c.0.s8.s32 v28  }
0x28: {  	v36 =	vsel vm1, $0x6, v17;
	v19 =	vimm.s32 $0x251B1107;
	v18 =	vunpack.c.0.s8.s32 v18  }
0x29: {  	[tilespmem:$0x1FCC0] =	vst v52;
	v19 =	vunpack.c.0.s8.s32 v19;
	v35 =	vsel vm0, v11, v8;
	v6 =	vsel vm0, v10, v6  }
0x2a: {  	[tilespmem:$0x1FCF0] =	vst v63;
	v21 =	vimm.s32 $0x4E443A30;
	v10 =	vunpack.c.0.s8.s32 v34;
	v6 =	vcombine.low v35, v6  }
0x2b: {  	[tilespmem:$0x1FD50] =	vst v16;
	v17 =	vunpack.c.0.s8.s32 v39;
	v38 =	vsel vm0, v20, v19;
	v21 =	vunpack.c.0.s8.s32 v21  }
0x2c: {  	v10 =	vsel vm0, v18, v10;
	v18 =	vunpack.c.0.s8.s32 v40;
	[tilespmem:$0x1FDC0] =	vst v6;
	v6 =	vunpack.c.0.s8.s32 v37  }
0x2d: {  	v49 =	vor.u32 $0x100, v51;
	v59 =	vsel vm15, $0xA, v56;
	[tilespmem:$0x1FD80] =	vst v27;
	v10 =	vcombine.low v38, v10  }
0x2e: {  	v56 =	vimm.s32 $0x776D6359;
	[tilespmem:$0x1FDB0] =	vst v33;
	v42 =	vsel vm0, v21, v18;
	v6 =	vsel vm0, v17, v6  }
0x2f: {  	v16 =	vunpack.c.0.s8.s32 v46;
	[tilespmem:$0x1FDF0] =	vst v10;
	v10 =	vsel vm1, $0x7, v41;
	v6 =	vcombine.low v42, v6  }
0x30: {  	v63 =	vimm.s32 $0x70665C52;
	v27 =	vor.u32 $0x30, v51;
	v33 =	vimm.s32 $0x17;
	[tilespmem:$0x1FE00] =	vst v10  }
0x31: {  	v46 =	vimm.s32 $0x61574D43;
	v10 =	vsel vm1, $0x8, v45;
	[tilespmem:$0x1FE20] =	vst v6;
	v6 =	vunpack.c.0.s8.s32 v44  }
0x32: {  	v54 =	vunpack.c.0.s8.s32 v23;
	v17 =	vunpack.c.0.s8.s32 v48;
	[tilespmem:$0x1FE30] =	vst v10;
	v10 =	vunpack.c.0.s8.s32 v47  }
0x33: {  	[tilespmem:$0x1FE10] =	vst v43;
	v55 =	vor.u32 $0x120, v51;
	v6 =	vsel vm0, v16, v6;
	v16 =	vunpack.c.0.s8.s32 v50  }
0x34: {  	[tilespmem:$0x1FE40] =	vst v49;
	v58 =	vimm.s32 $0x5B51473D;
	v0 =	vsel vm0, v0, v54;
	v52 =	vsel vm0, v17, v10  }
0x35: {  	[tilespmem:$0x1FDD0] =	vst v36;
	v22 =	vor.u32 $0xC0, v51;
	v6 =	vcombine.low v52, v6;
	v2 =	vsel vm0, v16, v2  }
0x36: {  	v60 =	vunpack.c.0.s8.s32 v58;
	[tilespmem:$0x1FDE0] =	vst v22;
	v16 =	vunpack.c.0.s8.s32 v57;
	v0 =	vcombine.low v0, v2  }
0x37: {  	v36 =	vimm.s32 $0x5F554B41;
	v22 =	vimm.s32 $0x15;
	[tilespmem:$0x1FE50] =	vst v6;
	v6 =	vsel vm1, $0x9, v53  }
0x38: {  	v62 =	vsel vm0, v16, v3;
	v16 =	vimm.s32 $0x5C52483E;
	[tilespmem:$0x1FE80] =	vst v0;
	v0 =	vsel vm0, v1, v60  }
0x39: {  	[tilespmem:$0x1FE60] =	vst v6;
	v6 =	vunpack.c.0.s8.s32 v63;
	v23 =	vunpack.c.0.s8.s32 v16;
	v0 =	vcombine.low v0, v62  }
0x3a: {  	v25 =	vimm.s32 $0x71675D53;
	v26 =	vimm.s32 $0x5D53493F;
	v31 =	vimm.s32 $0x5E544A40  }
0x3b: {  	v24 =	vsel vm0, v6, v5;
	v2 =	vsel vm0, v4, v23;
	[tilespmem:$0x1FEB0] =	vst v0;
	v0 =	vsel vm15, $0xB, v22  }
0x3c: {  	v28 =	vunpack.c.0.s8.s32 v26;
	v1 =	vunpack.c.0.s8.s32 v25;
	[tilespmem:$0x1FEC0] =	vst v0;
	v0 =	vcombine.low v2, v24  }
0x3d: {  	[tilespmem:$0x1FE90] =	vst v59;
	v61 =	vor.u32 $0x10, v51;
	v29 =	vimm.s32 $0x16;
	v32 =	vunpack.c.0.s8.s32 v31  }
0x3e: {  	v3 =	vunpack.c.0.s8.s32 v30;
	v1 =	vsel vm0, v1, v9;
	[tilespmem:$0x1FEE0] =	vst v0;
	v0 =	vsel vm0, v7, v28  }
0x3f: {  	[tilespmem:$0x1FED0] =	vst v27;
	v35 =	vimm.s32 $0x73695F55;
	v40 =	vimm.s32 $0x746A6056;
	v0 =	vcombine.low v0, v1  }
0x40: {  	[tilespmem:$0x1FE70] =	vst v55;
	v37 =	vor.u32 $0x50, v51;
	v38 =	vunpack.c.0.s8.s32 v36;
	v34 =	vsel vm0, v3, v14  }
0x41: {  	v3 =	vunpack.c.0.s8.s32 v35;
	v2 =	vsel vm15, $0xC, v29;
	[tilespmem:$0x1FF00] =	vst v0;
	v0 =	vsel vm0, v13, v32  }
0x42: {  	v41 =	vimm.s32 $0x60564C42;
	[tilespmem:$0x1FEF0] =	vst v2;
	v1 =	vsel vm15, $0xD, v33;
	v0 =	vcombine.low v0, v34  }
0x43: {  	v48 =	vimm.s32 $0x19;
	v39 =	vsel vm0, v3, v15;
	[tilespmem:$0x1FF20] =	vst v1;
	v1 =	vsel vm0, v12, v38  }
0x44: {  	v43 =	vunpack.c.0.s8.s32 v41;
	v2 =	vunpack.c.0.s8.s32 v40;
	[tilespmem:$0x1FF30] =	vst v0;
	v0 =	vcombine.low v1, v39  }
0x45: {  	[tilespmem:$0x1FEA0] =	vst v61;
	v42 =	vor.u32 $0x70, v51;
	v45 =	vimm.s32 $0x756B6157;
	v47 =	vunpack.c.0.s8.s32 v46  }
0x46: {  	v44 =	vimm.s32 $0x18;
	v2 =	vsel vm0, v2, v11;
	[tilespmem:$0x1FF50] =	vst v0;
	v0 =	vsel vm0, v8, v43  }
0x47: {  	s4 =	rddreg [dreg:$0x0];
	[tilespmem:$0x1FF10] =	vst v37;
	v52 =	vimm.s32 $0x62584E44;
	v3 =	vunpack.c.0.s8.s32 v45;
	v0 =	vcombine.low v0, v2  }
0x48: {  	s8 =	rddreg [dreg:$0x1];
	s2 =	srdreg.scid;
	[tilespmem:$0x1FF40] =	vst v42;
	v50 =	vimm.s32 $0x766C6258;
	v57 =	vimm.s32 $0x63594F45;
	v53 =	vunpack.c.0.s8.s32 v52  }
0x49: {  	s0 =	rddreg [dreg:$0x2];
	s3 =	sand.u32 $0x1, s2;
	s2 =	simm.s32 $0x0;
	v49 =	vsel vm0, v3, v20;
	v1 =	vsel vm15, $0xE, v44;
	[tilespmem:$0x1FF70] =	vst v0;
	v0 =	vsel vm0, v19, v47  }
0x4a: {  	s11 =	simm.s32 $0x200;
	[smem:$0x7FF] =	sst s2;
	v3 =	vunpack.c.0.s8.s32 v50;
	[tilespmem:$0x1FF60] =	vst v1;
	v1 =	vsel vm15, $0xF, v48;
	v0 =	vcombine.low v0, v49  }
0x4b: {  	s1 =	stileid.u32;
	s12 =	simm.s32 $0x400;
	v54 =	vimm.s32 $0x1A;
	v59 =	vunpack.c.0.s8.s32 v57;
	v62 =	vimm.s32 $0x1D;
	_ =	strace $0x80000047;
	[tilespmem:$0x1FF80] =	vst v1  }
0x4c: {  	s13 =	simm.s32 $0x600;
	s14 =	simm.s32 $0x668;
	s15 =	simm.s32 $0x688;
	v63 =	vsel vm15, $0x13, v62;
	v55 =	vsel vm0, v3, v21;
	[tilespmem:$0x1FF90] =	vst v0;
	v0 =	vsel vm0, v18, v53  }
0x4d: {  	s16 =	simm.s32 $0x7C8;
	s17 =	simm.s32 $0x4000;
	s18 =	simm.s32 $0x0;
	v3 =	vunpack.c.0.s8.s32 v56;
	v1 =	vsel vm15, $0x10, v54;
	[tilespmem:$0x1FFF0] =	vst v63;
	v0 =	vcombine.low v0, v55  }
0x4e: {  	s5 =	sshll.u32 s1, $0x7;
	s6 =	sshll.u32 s3, $0x6;
	s30 =	ssub.s32 $0x2, s3;
	v58 =	vimm.s32 $0x1B;
	v61 =	vimm.s32 $0x1C;
	[tilespmem:$0x1FFB0] =	vst v1  }
0x4f: {  	s3 =	sadd.s32 $0x400, s4;
	s9 =	sor.u32 s6, s5;
	s31 =	sshrl.u32 s30, $0x1;
	v60 =	vsel vm0, v3, v17;
	v2 =	vsel vm0, v10, v59;
	[tilespmem:$0x1FFA0] =	vst v0;
	v0 =	vsel vm15, $0x11, v58  }
0x50: {  	s7 =	sadd.s32 s9, s4;
	s4 =	sadd.s32 $0x600, s4;
	s10 =	ssub.s32 s30, s31;
	v1 =	vsel vm15, $0x12, v61;
	[tilespmem:$0x1FFC0] =	vst v0;
	v0 =	vcombine.low v2, v60  }
0x51: {  	s8 =	sadd.s32 s8, s9;
	s5 =	sadd.s32 $0x800, s7;
	s6 =	sadd.s32 $0x1000, s7;
	[tilespmem:$0x1FFD0] =	vst v1  }
0x52: {  	s7 =	sadd.s32 $0x1800, s7;
	s9 =	smax.u32 s10, $0x1;
	s10 =	simm.s32 $0x1;
	[tilespmem:$0x1FFE0] =	vst v0  }
.LBB2_1:
0x53: {  	[tilespmem:s2], [sflag:$0x1] =	stream.linear.gather [hbm4b:s5+s2], $0x200, $0x38;
	[tilespmem:$0x43C8] =	vst v63  }
0x54: {  	_ =	swait.ge [sflag:s10], $0x200  }
0x55: {  	[sflag:s10] =	ssyncset.done $0x0  }
0x56: {  	[sflag:s10] =	ssyncadd.s32 $0xFFFFFE00  }
0x57: {  	[tilespmem:s11], [sflag:$0x1] =	stream.linear.gather [hbm4b:s6+s2], $0x200, $0x38;
	[tilespmem:$0x43C8] =	vst v63  }
0x58: {  	_ =	swait.ge [sflag:s10], $0x200  }
0x59: {  	[sflag:s10] =	ssyncset.done $0x0  }
0x5a: {  	[sflag:s10] =	ssyncadd.s32 $0xFFFFFE00  }
0x5b: {  	[tilespmem:s12], [sflag:$0x1] =	stream.linear.gather [hbm4b:s7+s2], $0x200, $0x38;
	[tilespmem:$0x43C8] =	vst v63  }
0x5c: {  	_ =	swait.ge [sflag:s10], $0x200  }
0x5d: {  	[sflag:s10] =	ssyncset.done $0x0  }
0x5e: {  	[sflag:s10] =	ssyncadd.s32 $0xFFFFFE00  }
0x5f: {  	[tilespmem:s13], [sflag:$0x1] =	stream.linear.gather [hbm4b:s3+s2], $0x68, $0x38;
	[tilespmem:$0x43C8] =	vst v63  }
0x60: {  	_ =	swait.ge [sflag:s10], $0x68  }
0x61: {  	[sflag:s10] =	ssyncset.done $0x0  }
0x62: {  	[sflag:s10] =	ssyncadd.s32 $0xFFFFFF98  }
0x63: {  	[tilespmem:s14], [sflag:$0x1] =	stream.linear.gather [hbm4b:s4+s2], $0x20, $0x38;
	[tilespmem:$0x43C8] =	vst v63  }
0x64: {  	_ =	swait.ge [sflag:s10], $0x20  }
0x65: {  	v0 =	vld [tilespmem:$0x1FCB0]  }
0x66: {  	v1 =	vld [tilespmem:$0x1FCC0];
	_ =	sdelay $0x4  }
0x67: {  	[sflag:s10] =	ssyncset.done $0x0  }
0x68: {  	[sflag:s10] =	ssyncadd.s32 $0xFFFFFFE0  }
0x69: {  	v0 =	vld.idx.msk [tilespmem:v0+s13+$0x0], $0xffff  }
0x6a: {  	v1 =	vld.idx.msk [tilespmem:v1+s14+$0x0], $0xffff;
	_ =	sdelay $0x4  }
0x6b: {  	v0 =	vadd.f32 v1, v0  }
0x6c: {  	v1 =	vld [tilespmem:$0x1FCE0]  }
0x6d: {  	[tilespmem:v51+s15+$0x0] =	vst.idx.msk $0xffff, v0;
	v0 =	vld [tilespmem:$0x1FCD0];
	_ =	sdelay $0x6  }
0x6e: {  	v1 =	vld.idx.msk [tilespmem:v1+s14+$0x0], $0xffff  }
0x6f: {  	v0 =	vld.idx.msk [tilespmem:v0+s13+$0x0], $0xffff;
	_ =	sdelay $0x4  }
0x70: {  	v0 =	vadd.f32 v1, v0;
	v1 =	vld [tilespmem:$0x1FCF0];
	_ =	sdelay $0x7  }
0x71: {  	[tilespmem:v1+s15+$0x0] =	vst.idx.msk $0xffff, v0;
	v0 =	vld [tilespmem:$0x1FD00]  }
0x72: {  	v1 =	vld [tilespmem:$0x1FD10];
	_ =	sdelay $0x6  }
0x73: {  	v0 =	vld.idx.msk [tilespmem:v0+s13+$0x0], $0xffff  }
0x74: {  	v1 =	vld.idx.msk [tilespmem:v1+s14+$0x0], $0xffff;
	_ =	sdelay $0x4  }
0x75: {  	v0 =	vadd.f32 v1, v0;
	v1 =	vld [tilespmem:$0x1FD20];
	_ =	sdelay $0x7  }
0x76: {  	[tilespmem:v1+s15+$0x0] =	vst.idx.msk $0xffff, v0;
	v0 =	vld [tilespmem:$0x1FD30]  }
0x77: {  	v1 =	vld [tilespmem:$0x1FD40];
	_ =	sdelay $0x6  }
0x78: {  	v0 =	vld.idx.msk [tilespmem:v0+s13+$0x0], $0xffff  }
0x79: {  	v1 =	vld.idx.msk [tilespmem:v1+s14+$0x0], $0xffff;
	_ =	sdelay $0x4  }
0x7a: {  	v0 =	vadd.f32 v1, v0;
	v1 =	vld [tilespmem:$0x1FD50];
	_ =	sdelay $0x7  }
0x7b: {  	[tilespmem:v1+s15+$0x0] =	vst.idx.msk $0xffff, v0;
	v0 =	vld [tilespmem:$0x1FD60]  }
0x7c: {  	v1 =	vld [tilespmem:$0x1FD70];
	_ =	sdelay $0x6  }
0x7d: {  	v0 =	vld.idx.msk [tilespmem:v0+s13+$0x0], $0xffff  }
0x7e: {  	v1 =	vld.idx.msk [tilespmem:v1+s14+$0x0], $0xffff;
	_ =	sdelay $0x4  }
0x7f: {  	v0 =	vadd.f32 v1, v0;
	v1 =	vld [tilespmem:$0x1FD80];
	_ =	sdelay $0x7  }
0x80: {  	[tilespmem:v1+s15+$0x0] =	vst.idx.msk $0xffff, v0;
	v0 =	vld [tilespmem:$0x1FD90]  }
0x81: {  	v1 =	vld [tilespmem:$0x1FDA0];
	_ =	sdelay $0x6  }
0x82: {  	v0 =	vld.idx.msk [tilespmem:v0+s13+$0x0], $0xffff  }
0x83: {  	v1 =	vld.idx.msk [tilespmem:v1+s14+$0x0], $0xffff;
	_ =	sdelay $0x4  }
0x84: {  	v0 =	vadd.f32 v1, v0;
	v1 =	vld [tilespmem:$0x1FDB0];
	_ =	sdelay $0x7  }
0x85: {  	[tilespmem:v1+s15+$0x0] =	vst.idx.msk $0xffff, v0;
	v0 =	vld [tilespmem:$0x1FDC0]  }
0x86: {  	v1 =	vld [tilespmem:$0x1FDD0];
	_ =	sdelay $0x6  }
0x87: {  	v0 =	vld.idx.msk [tilespmem:v0+s13+$0x0], $0xffff  }
0x88: {  	v1 =	vld.idx.msk [tilespmem:v1+s14+$0x0], $0xffff;
	_ =	sdelay $0x4  }
0x89: {  	v0 =	vadd.f32 v1, v0;
	v1 =	vld [tilespmem:$0x1FDE0];
	_ =	sdelay $0x7  }
0x8a: {  	[tilespmem:v1+s15+$0x0] =	vst.idx.msk $0xffff, v0;
	v0 =	vld [tilespmem:$0x1FDF0]  }
0x8b: {  	v1 =	vld [tilespmem:$0x1FE00];
	_ =	sdelay $0x6  }
0x8c: {  	v0 =	vld.idx.msk [tilespmem:v0+s13+$0x0], $0xffff  }
0x8d: {  	v1 =	vld.idx.msk [tilespmem:v1+s14+$0x0], $0xffff;
	_ =	sdelay $0x4  }
0x8e: {  	v0 =	vadd.f32 v1, v0;
	v1 =	vld [tilespmem:$0x1FE10];
	_ =	sdelay $0x7  }
0x8f: {  	[tilespmem:v1+s15+$0x0] =	vst.idx.msk $0xffff, v0;
	v0 =	vld [tilespmem:$0x1FE20]  }
0x90: {  	v1 =	vld [tilespmem:$0x1FE30];
	_ =	sdelay $0x6  }
0x91: {  	v0 =	vld.idx.msk [tilespmem:v0+s13+$0x0], $0xffff  }
0x92: {  	v1 =	vld.idx.msk [tilespmem:v1+s14+$0x0], $0xffff;
	_ =	sdelay $0x4  }
0x93: {  	v0 =	vadd.f32 v1, v0;
	v1 =	vld [tilespmem:$0x1FE40];
	_ =	sdelay $0x7  }
0x94: {  	[tilespmem:v1+s15+$0x0] =	vst.idx.msk $0xffff, v0;
	v0 =	vld [tilespmem:$0x1FE50]  }
0x95: {  	v1 =	vld [tilespmem:$0x1FE60];
	_ =	sdelay $0x6  }
0x96: {  	v0 =	vld.idx.msk [tilespmem:v0+s13+$0x0], $0xffff  }
0x97: {  	v1 =	vld.idx.msk [tilespmem:v1+s14+$0x0], $0xffff;
	_ =	sdelay $0x4  }
0x98: {  	v0 =	vadd.f32 v1, v0;
	v1 =	vld [tilespmem:$0x1FE70];
	_ =	sdelay $0x7  }
0x99: {  	[tilespmem:v1+s15+$0x0] =	vst.idx.msk $0xffff, v0;
	v0 =	vld [tilespmem:$0x1FE80]  }
0x9a: {  	v1 =	vld [tilespmem:$0x1FE90];
	_ =	sdelay $0x6  }
0x9b: {  	v0 =	vld.idx.msk [tilespmem:v0+s13+$0x0], $0x3fff  }
0x9c: {  	v1 =	vld.idx.msk [tilespmem:v1+s14+$0x0], $0x3fff;
	_ =	sdelay $0x4  }
0x9d: {  	v0 =	vadd.f32 v1, v0;
	v1 =	vld [tilespmem:$0x1FEA0];
	_ =	sdelay $0x7  }
0x9e: {  	[tilespmem:v1+s15+$0x0] =	vst.idx.msk $0x3fff, v0;
	v0 =	vld [tilespmem:$0x1FEB0]  }
0x9f: {  	v1 =	vld [tilespmem:$0x1FEC0];
	_ =	sdelay $0x6  }
0xa0: {  	v0 =	vld.idx.msk [tilespmem:v0+s13+$0x0], $0x3fff  }
0xa1: {  	v1 =	vld.idx.msk [tilespmem:v1+s14+$0x0], $0x3fff;
	_ =	sdelay $0x4  }
0xa2: {  	v0 =	vadd.f32 v1, v0;
	v1 =	vld [tilespmem:$0x1FED0];
	_ =	sdelay $0x7  }
0xa3: {  	[tilespmem:v1+s15+$0x0] =	vst.idx.msk $0x3fff, v0;
	v0 =	vld [tilespmem:$0x1FEE0]  }
0xa4: {  	v1 =	vld [tilespmem:$0x1FEF0];
	_ =	sdelay $0x6  }
0xa5: {  	v0 =	vld.idx.msk [tilespmem:v0+s13+$0x0], $0x3fff  }
0xa6: {  	v1 =	vld.idx.msk [tilespmem:v1+s14+$0x0], $0x3fff;
	_ =	sdelay $0x4  }
0xa7: {  	v0 =	vadd.f32 v1, v0;
	v1 =	vld [tilespmem:$0x1FF10];
	_ =	sdelay $0x7  }
0xa8: {  	[tilespmem:v1+s15+$0x0] =	vst.idx.msk $0x3fff, v0;
	v0 =	vld [tilespmem:$0x1FF00]  }
0xa9: {  	v1 =	vld [tilespmem:$0x1FF20];
	_ =	sdelay $0x6  }
0xaa: {  	v0 =	vld.idx.msk [tilespmem:v0+s13+$0x0], $0x3fff  }
0xab: {  	v1 =	vld.idx.msk [tilespmem:v1+s14+$0x0], $0x3fff;
	_ =	sdelay $0x4  }
0xac: {  	v0 =	vadd.f32 v1, v0;
	v1 =	vld [tilespmem:$0x1FF40];
	_ =	sdelay $0x7  }
0xad: {  	[tilespmem:v1+s15+$0x0] =	vst.idx.msk $0x3fff, v0;
	v0 =	vld [tilespmem:$0x1FF30]  }
0xae: {  	v1 =	vld [tilespmem:$0x1FF60];
	_ =	sdelay $0x6  }
0xaf: {  	v0 =	vld.idx.msk [tilespmem:v0+s13+$0x0], $0x3fff  }
0xb0: {  	v1 =	vld.idx.msk [tilespmem:v1+s14+$0x0], $0x3fff;
	_ =	sdelay $0x1  }
0xb1: {  	v2 =	vor.u32 $0x90, v51;
	_ =	sdelay $0x2  }
0xb2: {  	v0 =	vadd.f32 v1, v0  }
0xb3: {  	v1 =	vld [tilespmem:$0x1FF80]  }
0xb4: {  	[tilespmem:v2+s15+$0x0] =	vst.idx.msk $0x3fff, v0;
	v0 =	vld [tilespmem:$0x1FF50];
	_ =	sdelay $0x6  }
0xb5: {  	v1 =	vld.idx.msk [tilespmem:v1+s14+$0x0], $0x3fff  }
0xb6: {  	v0 =	vld.idx.msk [tilespmem:v0+s13+$0x0], $0x3fff;
	_ =	sdelay $0x1  }
0xb7: {  	v2 =	vor.u32 $0xB0, v51;
	_ =	sdelay $0x2  }
0xb8: {  	v0 =	vadd.f32 v1, v0  }
0xb9: {  	v1 =	vld [tilespmem:$0x1FFB0]  }
0xba: {  	[tilespmem:v2+s15+$0x0] =	vst.idx.msk $0x3fff, v0;
	v0 =	vld [tilespmem:$0x1FF70];
	_ =	sdelay $0x6  }
0xbb: {  	v1 =	vld.idx.msk [tilespmem:v1+s14+$0x0], $0x3fff  }
0xbc: {  	v0 =	vld.idx.msk [tilespmem:v0+s13+$0x0], $0x3fff;
	_ =	sdelay $0x1  }
0xbd: {  	v2 =	vor.u32 $0xD0, v51;
	_ =	sdelay $0x2  }
0xbe: {  	v0 =	vadd.f32 v1, v0  }
0xbf: {  	v1 =	vld [tilespmem:$0x1FFC0]  }
0xc0: {  	[tilespmem:v2+s15+$0x0] =	vst.idx.msk $0x3fff, v0;
	v0 =	vld [tilespmem:$0x1FF90];
	_ =	sdelay $0x6  }
0xc1: {  	v1 =	vld.idx.msk [tilespmem:v1+s14+$0x0], $0x3fff  }
0xc2: {  	v0 =	vld.idx.msk [tilespmem:v0+s13+$0x0], $0x3fff;
	_ =	sdelay $0x1  }
0xc3: {  	v2 =	vor.u32 $0xF0, v51;
	_ =	sdelay $0x2  }
0xc4: {  	v0 =	vadd.f32 v1, v0  }
0xc5: {  	v1 =	vld [tilespmem:$0x1FFD0]  }
0xc6: {  	[tilespmem:v2+s15+$0x0] =	vst.idx.msk $0x3fff, v0;
	v0 =	vld [tilespmem:$0x1FFA0];
	_ =	sdelay $0x6  }
0xc7: {  	v1 =	vld.idx.msk [tilespmem:v1+s14+$0x0], $0x3fff  }
0xc8: {  	v0 =	vld.idx.msk [tilespmem:v0+s13+$0x0], $0x3fff;
	_ =	sdelay $0x1  }
0xc9: {  	v2 =	vor.u32 $0x110, v51;
	_ =	sdelay $0x2  }
0xca: {  	v0 =	vadd.f32 v1, v0  }
0xcb: {  	v1 =	vld [tilespmem:$0x1FFF0]  }
0xcc: {  	[tilespmem:v2+s15+$0x0] =	vst.idx.msk $0x3fff, v0;
	v0 =	vld [tilespmem:$0x1FFE0];
	_ =	sdelay $0x6  }
0xcd: {  	v1 =	vld.idx.msk [tilespmem:v1+s14+$0x0], $0x3fff  }
0xce: {  	v0 =	vld.idx.msk [tilespmem:v0+s13+$0x0], $0x3fff  }
0xcf: {  	s26 =	simm.s32 $0x0  }
0xd0: {  	v36 =	vor.u32 $0xFFFFFFE8, v51;
	v3 =	vor.u32 s26, v51;
	v2 =	vor.u32 $0x130, v51  }
0xd1: {  	v3 =	vand.u32 v36, v3;
	_ =	sdelay $0x1  }
0xd2: {  	v0 =	vadd.f32 v1, v0;
	_ =	sdelay $0x1  }
0xd3: {  	[tilespmem:v2+s15+$0x0] =	vst.idx.msk $0x3fff, v0  }
0xd4: {  	s25 =	simm.s32 $0x10;
	v0 =	vld.idx.msk [tilespmem:v3+s2+$0x0], $0xffff  }
0xd5: {  	v37 =	vor.u32 $0xFFFFFFF8, v51;
	v1 =	vor.u32 s25, v51  }
0xd6: {  	v1 =	vand.u32 v37, v1;
	_ =	sdelay $0x4  }
0xd7: {  	v4 =	vld.idx.msk [tilespmem:v1+s2+$0x0], $0xffff  }
0xd8: {  	v2 =	vld.idx.msk [tilespmem:v0+s15+$0x0], $0xffff  }
0xd9: {  	v5 =	vadd.s32 $0x20, v0;
	_ =	sdelay $0x3  }
0xda: {  	v42 =	vor.u32 $0x200, v51;
	[tilespmem:v3+s16+$0x0] =	vst.idx.msk $0xffff, v2  }
0xdb: {  	v3 =	vor.u32 s26, v42;
	v2 =	vld.idx.msk [tilespmem:v5+s15+$0x0], $0xffff  }
0xdc: {  	v5 =	vadd.s32 $0x40, v0  }
0xdd: {  	v6 =	vld.idx.msk [tilespmem:v4+s15+$0x0], $0xffff  }
0xde: {  	v7 =	vadd.s32 $0x20, v4;
	_ =	sdelay $0x1  }
0xdf: {  	v43 =	vor.u32 $0x400, v51;
	[tilespmem:v3+s16+$0x0] =	vst.idx.msk $0xffff, v2  }
0xe0: {  	v2 =	vor.u32 s26, v43;
	v5 =	vld.idx.msk [tilespmem:v5+s15+$0x0], $0xffff  }
0xe1: {  	[tilespmem:v1+s16+$0x0] =	vst.idx.msk $0xffff, v6;
	v1 =	vadd.s32 $0x60, v0  }
0xe2: {  	v6 =	vld.idx.msk [tilespmem:v7+s15+$0x0], $0xffff;
	v7 =	vor.u32 s25, v42  }
0xe3: {  	v8 =	vadd.s32 $0x40, v4;
	_ =	sdelay $0x1  }
0xe4: {  	v44 =	vor.u32 $0x600, v51;
	[tilespmem:v2+s16+$0x0] =	vst.idx.msk $0xffff, v5  }
0xe5: {  	v5 =	vor.u32 s26, v44;
	v1 =	vld.idx.msk [tilespmem:v1+s15+$0x0], $0xffff  }
0xe6: {  	[tilespmem:v7+s16+$0x0] =	vst.idx.msk $0xffff, v6;
	v6 =	vadd.s32 $0x80, v0  }
0xe7: {  	v34 =	vor.u32 s25, v43;
	v8 =	vld.idx.msk [tilespmem:v8+s15+$0x0], $0xffff  }
0xe8: {  	v9 =	vadd.s32 $0x60, v4;
	_ =	sdelay $0x1  }
0xe9: {  	v52 =	vor.u32 $0x800, v51;
	[tilespmem:v5+s16+$0x0] =	vst.idx.msk $0xffff, v1  }
0xea: {  	v5 =	vor.u32 s26, v52;
	v1 =	vld.idx.msk [tilespmem:v6+s15+$0x0], $0xffff  }
0xeb: {  	[tilespmem:v34+s16+$0x0] =	vst.idx.msk $0xffff, v8;
	v6 =	vadd.s32 $0xA0, v0  }
0xec: {  	v47 =	vor.u32 s25, v44;
	v8 =	vld.idx.msk [tilespmem:v9+s15+$0x0], $0xffff  }
0xed: {  	v10 =	vadd.s32 $0x80, v4;
	_ =	sdelay $0x1  }
0xee: {  	v54 =	vor.u32 $0xA00, v51;
	[tilespmem:v5+s16+$0x0] =	vst.idx.msk $0xffff, v1  }
0xef: {  	v5 =	vor.u32 s26, v54;
	v1 =	vld.idx.msk [tilespmem:v6+s15+$0x0], $0xffff  }
0xf0: {  	[tilespmem:v47+s16+$0x0] =	vst.idx.msk $0xffff, v8;
	v6 =	vadd.s32 $0xC0, v0  }
0xf1: {  	v8 =	vor.u32 s25, v52;
	v9 =	vld.idx.msk [tilespmem:v10+s15+$0x0], $0xffff  }
0xf2: {  	v48 =	vadd.s32 $0xA0, v4;
	_ =	sdelay $0x1  }
0xf3: {  	v35 =	vor.u32 $0xC00, v51;
	[tilespmem:v5+s16+$0x0] =	vst.idx.msk $0xffff, v1  }
0xf4: {  	v5 =	vor.u32 s26, v35;
	v1 =	vld.idx.msk [tilespmem:v6+s15+$0x0], $0xffff  }
0xf5: {  	[tilespmem:v8+s16+$0x0] =	vst.idx.msk $0xffff, v9;
	v6 =	vadd.s32 $0xE0, v0  }
0xf6: {  	v8 =	vor.u32 s25, v54;
	v9 =	vld.idx.msk [tilespmem:v48+s15+$0x0], $0xffff  }
0xf7: {  	v49 =	vadd.s32 $0xC0, v4;
	_ =	sdelay $0x1  }
0xf8: {  	v38 =	vor.u32 $0xE00, v51;
	[tilespmem:v5+s16+$0x0] =	vst.idx.msk $0xffff, v1  }
0xf9: {  	s20 =	simm.s32 $0x20;
	v5 =	vor.u32 s26, v38;
	v1 =	vld.idx.msk [tilespmem:v6+s15+$0x0], $0xffff  }
0xfa: {  	[tilespmem:v8+s16+$0x0] =	vst.idx.msk $0xffff, v9;
	v8 =	vadd.s32 $0x100, v0;
	v6 =	vor.u32 s20, v51  }
0xfb: {  	s19 =	simm.s32 $0x30;
	v50 =	vor.u32 s25, v35;
	v10 =	vld.idx.msk [tilespmem:v49+s15+$0x0], $0xffff;
	v6 =	vand.u32 v36, v6  }
0xfc: {  	v12 =	vor.u32 s19, v51;
	v11 =	vadd.s32 $0xE0, v4  }
0xfd: {  	v12 =	vand.u32 v37, v12  }
0xfe: {  	v39 =	vor.u32 $0x1000, v51;
	[tilespmem:v5+s16+$0x0] =	vst.idx.msk $0xffff, v1  }
0xff: {  	v5 =	vor.u32 s26, v39;
	v1 =	vld.idx.msk [tilespmem:v8+s15+$0x0], $0xffff  }
0x100: {  	v0 =	vadd.s32 $0x120, v0;
	[tilespmem:v50+s16+$0x0] =	vst.idx.msk $0xffff, v10;
	v13 =	vld.idx.msk [tilespmem:v6+s2+$0x0], $0xffff  }
0x101: {  	v53 =	vor.u32 s25, v38;
	v8 =	vld.idx.msk [tilespmem:v11+s15+$0x0], $0xffff  }
0x102: {  	v55 =	vadd.s32 $0x100, v4;
	v9 =	vld.idx.msk [tilespmem:v12+s2+$0x0], $0xffff;
	_ =	sdelay $0x1  }
0x103: {  	v40 =	vor.u32 $0x1200, v51;
	[tilespmem:v5+s16+$0x0] =	vst.idx.msk $0xffff, v1  }
0x104: {  	v1 =	vor.u32 s26, v40;
	v0 =	vld.idx.msk [tilespmem:v0+s15+$0x0], $0xffff  }
0x105: {  	[tilespmem:v53+s16+$0x0] =	vst.idx.msk $0xffff, v8  }
0x106: {  	v5 =	vor.u32 s25, v39;
	v8 =	vld.idx.msk [tilespmem:v55+s15+$0x0], $0xffff  }
0x107: {  	v4 =	vadd.s32 $0x120, v4;
	v56 =	vld.idx.msk [tilespmem:v13+s15+$0x0], $0xffff  }
0x108: {  	v14 =	vadd.s32 $0x20, v13  }
0x109: {  	v16 =	vld.idx.msk [tilespmem:v9+s15+$0x0], $0xffff;
	[tilespmem:v1+s16+$0x0] =	vst.idx.msk $0xffff, v0  }
0x10a: {  	v57 =	vld.idx.msk [tilespmem:v3+s2+$0x0], $0xffff  }
0x10b: {  	v0 =	vadd.s32 $0x20, v9;
	[tilespmem:v5+s16+$0x0] =	vst.idx.msk $0xffff, v8  }
0x10c: {  	v1 =	vor.u32 s25, v40;
	v3 =	vld.idx.msk [tilespmem:v4+s15+$0x0], $0xffff;
	[tilespmem:v6+s16+$0x0] =	vst.idx.msk $0xffff, v56  }
0x10d: {  	v58 =	vor.u32 s20, v42;
	v4 =	vld.idx.msk [tilespmem:v14+s15+$0x0], $0xffff  }
0x10e: {  	v5 =	vadd.s32 $0x40, v13  }
0x10f: {  	[tilespmem:v12+s16+$0x0] =	vst.idx.msk $0xffff, v16;
	v6 =	vadd.s32 $0xA, v57  }
0x110: {  	v12 =	vor.u32 s19, v42;
	v0 =	vld.idx.msk [tilespmem:v0+s15+$0x0], $0xffff  }
0x111: {  	v8 =	vadd.s32 $0x40, v9;
	[tilespmem:v1+s16+$0x0] =	vst.idx.msk $0xffff, v3  }
0x112: {  	v14 =	vld.idx.msk [tilespmem:v7+s2+$0x0], $0xffff;
	[tilespmem:v58+s16+$0x0] =	vst.idx.msk $0xffff, v4  }
0x113: {  	v45 =	vor.u32 $0x1400, v51;
	v46 =	vor.u32 s20, v43;
	v1 =	vld.idx.msk [tilespmem:v5+s15+$0x0], $0xffff  }
0x114: {  	v4 =	vadd.s32 $0x60, v13;
	v5 =	vor.u32 s26, v45;
	v3 =	vld.idx.msk [tilespmem:v6+s15+$0x0], $0xffff  }
0x115: {  	[tilespmem:v12+s16+$0x0] =	vst.idx.msk $0xffff, v0;
	v0 =	vadd.s32 $0x2A, v57  }
0x116: {  	v25 =	vor.u32 s19, v43;
	v6 =	vld.idx.msk [tilespmem:v8+s15+$0x0], $0xffff  }
0x117: {  	v7 =	vadd.s32 $0x60, v9  }
0x118: {  	v8 =	vadd.s32 $0xA, v14;
	[tilespmem:v46+s16+$0x0] =	vst.idx.msk $0xffff, v1  }
0x119: {  	v55 =	vor.u32 $0x1600, v51;
	v1 =	vld.idx.msk [tilespmem:v4+s15+$0x0], $0xffff;
	[tilespmem:v5+s16+$0x0] =	vst.idx.msk $0xffff, v3;
	v3 =	vor.u32 s20, v44  }
0x11a: {  	v4 =	vadd.s32 $0x80, v13;
	v5 =	vor.u32 s26, v55;
	v0 =	vld.idx.msk [tilespmem:v0+s15+$0x0], $0xffff  }
0x11b: {  	[tilespmem:v25+s16+$0x0] =	vst.idx.msk $0xffff, v6;
	v6 =	vadd.s32 $0x4A, v57  }
0x11c: {  	v59 =	vor.u32 s19, v44;
	v7 =	vld.idx.msk [tilespmem:v7+s15+$0x0], $0xffff  }
0x11d: {  	v18 =	vor.u32 s25, v45;
	v17 =	vadd.s32 $0x80, v9;
	v8 =	vld.idx.msk [tilespmem:v8+s15+$0x0], $0xffff  }
0x11e: {  	v19 =	vadd.s32 $0x2A, v14;
	[tilespmem:v3+s16+$0x0] =	vst.idx.msk $0xffff, v1  }
0x11f: {  	v60 =	vor.u32 $0x1800, v51;
	v1 =	vld.idx.msk [tilespmem:v4+s15+$0x0], $0xffff;
	[tilespmem:v5+s16+$0x0] =	vst.idx.msk $0xffff, v0;
	v0 =	vor.u32 s20, v52  }
0x120: {  	v4 =	vadd.s32 $0xA0, v13;
	v5 =	vor.u32 s26, v60;
	v3 =	vld.idx.msk [tilespmem:v6+s15+$0x0], $0xffff  }
0x121: {  	[tilespmem:v59+s16+$0x0] =	vst.idx.msk $0xffff, v7;
	v6 =	vadd.s32 $0x6A, v57  }
0x122: {  	v7 =	vor.u32 s19, v52;
	[tilespmem:v18+s16+$0x0] =	vst.idx.msk $0xffff, v8;
	v8 =	vld.idx.msk [tilespmem:v17+s15+$0x0], $0xffff  }
0x123: {  	v32 =	vadd.s32 $0xA0, v9;
	v33 =	vor.u32 s25, v55;
	v18 =	vld.idx.msk [tilespmem:v19+s15+$0x0], $0xffff  }
0x124: {  	v19 =	vadd.s32 $0x4A, v14;
	[tilespmem:v0+s16+$0x0] =	vst.idx.msk $0xffff, v1  }
0x125: {  	v22 =	vor.u32 $0x1A00, v51;
	v1 =	vor.u32 s20, v54;
	v0 =	vld.idx.msk [tilespmem:v4+s15+$0x0], $0xffff;
	[tilespmem:v5+s16+$0x0] =	vst.idx.msk $0xffff, v3  }
0x126: {  	v4 =	vadd.s32 $0xC0, v13;
	v5 =	vor.u32 s26, v22;
	v3 =	vld.idx.msk [tilespmem:v6+s15+$0x0], $0xffff  }
0x127: {  	[tilespmem:v7+s16+$0x0] =	vst.idx.msk $0xffff, v8;
	v6 =	vadd.s32 $0x8A, v57  }
0x128: {  	v7 =	vor.u32 s19, v54;
	[tilespmem:v33+s16+$0x0] =	vst.idx.msk $0xffff, v18;
	v8 =	vld.idx.msk [tilespmem:v32+s15+$0x0], $0xffff  }
0x129: {  	v48 =	vor.u32 s25, v60;
	v41 =	vadd.s32 $0xC0, v9;
	v18 =	vld.idx.msk [tilespmem:v19+s15+$0x0], $0xffff  }
0x12a: {  	v19 =	vadd.s32 $0x6A, v14;
	[tilespmem:v1+s16+$0x0] =	vst.idx.msk $0xffff, v0  }
0x12b: {  	v47 =	vor.u32 $0x1C00, v51;
	v1 =	vor.u32 s20, v35;
	v0 =	vld.idx.msk [tilespmem:v4+s15+$0x0], $0xffff;
	[tilespmem:v5+s16+$0x0] =	vst.idx.msk $0xffff, v3  }
0x12c: {  	v4 =	vadd.s32 $0xE0, v13;
	v5 =	vor.u32 s26, v47;
	v3 =	vld.idx.msk [tilespmem:v6+s15+$0x0], $0xffff  }
0x12d: {  	[tilespmem:v7+s16+$0x0] =	vst.idx.msk $0xffff, v8;
	v6 =	vadd.s32 $0xAA, v57  }
0x12e: {  	v7 =	vor.u32 s19, v35;
	[tilespmem:v48+s16+$0x0] =	vst.idx.msk $0xffff, v18;
	v8 =	vld.idx.msk [tilespmem:v41+s15+$0x0], $0xffff  }
0x12f: {  	s21 =	simm.s32 $0x40;
	v49 =	vadd.s32 $0xE0, v9;
	v50 =	vor.u32 s25, v22;
	v18 =	vld.idx.msk [tilespmem:v19+s15+$0x0], $0xffff  }
0x130: {  	v19 =	vadd.s32 $0x8A, v14;
	[tilespmem:v1+s16+$0x0] =	vst.idx.msk $0xffff, v0;
	v0 =	vor.u32 s21, v51  }
0x131: {  	v41 =	vor.u32 $0x1E00, v51;
	v1 =	vld.idx.msk [tilespmem:v4+s15+$0x0], $0xffff;
	[tilespmem:v5+s16+$0x0] =	vst.idx.msk $0xffff, v3;
	v0 =	vand.u32 v36, v0;
	v3 =	vor.u32 s20, v38  }
0x132: {  	s22 =	simm.s32 $0x50;
	v5 =	vadd.s32 $0x100, v13;
	v4 =	vld.idx.msk [tilespmem:v6+s15+$0x0], $0xffff;
	v6 =	vor.u32 s26, v41  }
0x133: {  	v20 =	vor.u32 s22, v51;
	[tilespmem:v7+s16+$0x0] =	vst.idx.msk $0xffff, v8;
	v7 =	vadd.s32 $0xCA, v57  }
0x134: {  	v23 =	vand.u32 v37, v20;
	[tilespmem:v50+s16+$0x0] =	vst.idx.msk $0xffff, v18;
	v16 =	vld.idx.msk [tilespmem:v49+s15+$0x0], $0xffff  }
0x135: {  	v17 =	vld.idx.msk [tilespmem:v19+s15+$0x0], $0xffff  }
0x136: {  	v20 =	vor.u32 s19, v38;
	v18 =	vld.idx.msk [tilespmem:v0+s2+$0x0], $0xffff;
	[tilespmem:v3+s16+$0x0] =	vst.idx.msk $0xffff, v1  }
0x137: {  	v8 =	vor.u32 $0x2000, v51;
	v1 =	vadd.s32 $0x100, v9;
	v3 =	vld.idx.msk [tilespmem:v5+s15+$0x0], $0xffff;
	[tilespmem:v6+s16+$0x0] =	vst.idx.msk $0xffff, v4;
	v4 =	vor.u32 s20, v39  }
0x138: {  	v6 =	vadd.s32 $0x120, v13;
	v5 =	vld.idx.msk [tilespmem:v7+s15+$0x0], $0xffff;
	v7 =	vor.u32 s26, v8  }
0x139: {  	v21 =	vadd.s32 $0xEA, v57;
	v19 =	vld.idx.msk [tilespmem:v23+s2+$0x0], $0xffff;
	v13 =	vor.u32 s25, v47  }
0x13a: {  	v24 =	vadd.s32 $0xAA, v14  }
0x13b: {  	[tilespmem:v20+s16+$0x0] =	vst.idx.msk $0xffff, v16  }
0x13c: {  	v53 =	vor.u32 s19, v39;
	v1 =	vld.idx.msk [tilespmem:v1+s15+$0x0], $0xffff;
	[tilespmem:v4+s16+$0x0] =	vst.idx.msk $0xffff, v3  }
0x13d: {  	v3 =	vadd.s32 $0x120, v9;
	v9 =	vor.u32 $0x2200, v51;
	v4 =	vld.idx.msk [tilespmem:v6+s15+$0x0], $0xffff;
	[tilespmem:v7+s16+$0x0] =	vst.idx.msk $0xffff, v5;
	v5 =	vor.u32 s20, v40  }
0x13e: {  	[tilespmem:v13+s16+$0x0] =	vst.idx.msk $0xffff, v17;
	v7 =	vor.u32 s26, v9;
	v6 =	vld.idx.msk [tilespmem:v21+s15+$0x0], $0xffff  }
0x13f: {  	v20 =	vadd.s32 $0x10A, v57;
	v13 =	vor.u32 s25, v41;
	v17 =	vld.idx.msk [tilespmem:v24+s15+$0x0], $0xffff  }
0x140: {  	v24 =	vadd.s32 $0xCA, v14;
	v26 =	vld.idx.msk [tilespmem:v18+s15+$0x0], $0xffff  }
0x141: {  	v56 =	vadd.s32 $0x20, v18;
	[tilespmem:v53+s16+$0x0] =	vst.idx.msk $0xffff, v1;
	v1 =	vld.idx.msk [tilespmem:v19+s15+$0x0], $0xffff  }
0x142: {  	v3 =	vld.idx.msk [tilespmem:v3+s15+$0x0], $0xffff;
	[tilespmem:v5+s16+$0x0] =	vst.idx.msk $0xffff, v4  }
0x143: {  	v10 =	vor.u32 $0x2400, v51;
	v4 =	vor.u32 s19, v40;
	v5 =	vadd.s32 $0x20, v19;
	v21 =	vld.idx.msk [tilespmem:v58+s2+$0x0], $0xffff;
	[tilespmem:v7+s16+$0x0] =	vst.idx.msk $0xffff, v6  }
0x144: {  	[tilespmem:v13+s16+$0x0] =	vst.idx.msk $0xffff, v17;
	v7 =	vor.u32 s26, v10;
	v6 =	vld.idx.msk [tilespmem:v20+s15+$0x0], $0xffff  }
0x145: {  	v13 =	vor.u32 s25, v8;
	v17 =	vld.idx.msk [tilespmem:v24+s15+$0x0], $0xffff;
	[tilespmem:v0+s16+$0x0] =	vst.idx.msk $0xffff, v26;
	v0 =	vadd.s32 $0x12A, v57  }
0x146: {  	v26 =	vadd.s32 $0xEA, v14;
	v16 =	vld.idx.msk [tilespmem:v56+s15+$0x0], $0xffff;
	v20 =	vor.u32 s21, v42  }
0x147: {  	[tilespmem:v23+s16+$0x0] =	vst.idx.msk $0xffff, v1;
	v1 =	vadd.s32 $0x40, v18  }
0x148: {  	v5 =	vld.idx.msk [tilespmem:v5+s15+$0x0], $0xffff;
	[tilespmem:v4+s16+$0x0] =	vst.idx.msk $0xffff, v3;
	v3 =	vadd.s32 $0xA, v21  }
0x149: {  	v11 =	vor.u32 $0x2600, v51;
	v24 =	vor.u32 s22, v42;
	v23 =	vld.idx.msk [tilespmem:v12+s2+$0x0], $0xffff;
	[tilespmem:v7+s16+$0x0] =	vst.idx.msk $0xffff, v6  }
0x14a: {  	v4 =	vadd.s32 $0x40, v19;
	[tilespmem:v13+s16+$0x0] =	vst.idx.msk $0xffff, v17;
	v6 =	vor.u32 s26, v11;
	v0 =	vld.idx.msk [tilespmem:v0+s15+$0x0], $0xffff  }
0x14b: {  	v7 =	vor.u32 s25, v9;
	v17 =	vld.idx.msk [tilespmem:v26+s15+$0x0], $0xffff;
	[tilespmem:v20+s16+$0x0] =	vst.idx.msk $0xffff, v16  }
0x14c: {  	v57 =	vadd.s32 $0x10A, v14;
	v12 =	vor.u32 s21, v43;
	v1 =	vld.idx.msk [tilespmem:v1+s15+$0x0], $0xffff  }
0x14d: {  	v27 =	vor.u32 s20, v45;
	v26 =	vadd.s32 $0x60, v18;
	v3 =	vld.idx.msk [tilespmem:v3+s15+$0x0], $0xffff  }
0x14e: {  	[tilespmem:v24+s16+$0x0] =	vst.idx.msk $0xffff, v5;
	v5 =	vadd.s32 $0x2A, v21  }
0x14f: {  	v13 =	vor.u32 s22, v43;
	v4 =	vld.idx.msk [tilespmem:v4+s15+$0x0], $0xffff;
	[tilespmem:v6+s16+$0x0] =	vst.idx.msk $0xffff, v0  }
0x150: {  	[tilespmem:v7+s16+$0x0] =	vst.idx.msk $0xffff, v17;
	v0 =	vadd.s32 $0x60, v19;
	v2 =	vld.idx.msk [tilespmem:v2+s2+$0x0], $0xffff  }
0x151: {  	v7 =	vadd.s32 $0xA, v23;
	v6 =	vor.u32 s25, v10;
	v16 =	vld.idx.msk [tilespmem:v57+s15+$0x0], $0xffff;
	[tilespmem:v12+s16+$0x0] =	vst.idx.msk $0xffff, v1  }
0x152: {  	v1 =	vadd.s32 $0x12A, v14;
	v14 =	vld.idx.msk [tilespmem:v26+s15+$0x0], $0xffff;
	[tilespmem:v27+s16+$0x0] =	vst.idx.msk $0xffff, v3;
	v3 =	vor.u32 s21, v44  }
0x153: {  	v58 =	vadd.s32 $0x80, v18;
	v26 =	vor.u32 s20, v55;
	v5 =	vld.idx.msk [tilespmem:v5+s15+$0x0], $0xffff  }
0x154: {  	[tilespmem:v13+s16+$0x0] =	vst.idx.msk $0xffff, v4;
	v4 =	vadd.s32 $0x4A, v21  }
0x155: {  	v27 =	vor.u32 s22, v44;
	v0 =	vld.idx.msk [tilespmem:v0+s15+$0x0], $0xffff;
	v28 =	vadd.s32 $0x14, v2  }
0x156: {  	v30 =	vor.u32 s19, v45;
	v29 =	vadd.s32 $0x80, v19;
	[tilespmem:v6+s16+$0x0] =	vst.idx.msk $0xffff, v16;
	v6 =	vld.idx.msk [tilespmem:v7+s15+$0x0], $0xffff  }
0x157: {  	v59 =	vadd.s32 $0x2A, v23;
	v7 =	vor.u32 s25, v11;
	v1 =	vld.idx.msk [tilespmem:v1+s15+$0x0], $0xffff;
	[tilespmem:v3+s16+$0x0] =	vst.idx.msk $0xffff, v14  }
0x158: {  	v3 =	vld.idx.msk [tilespmem:v58+s15+$0x0], $0xffff;
	[tilespmem:v26+s16+$0x0] =	vst.idx.msk $0xffff, v5;
	v5 =	vor.u32 s21, v52  }
0x159: {  	v31 =	vor.u32 s20, v60;
	v61 =	vadd.s32 $0xA0, v18;
	v4 =	vld.idx.msk [tilespmem:v4+s15+$0x0], $0xffff  }
0x15a: {  	v15 =	vor.u32 $0x2800, v51;
	[tilespmem:v27+s16+$0x0] =	vst.idx.msk $0xffff, v0;
	v27 =	vadd.s32 $0x6A, v21;
	v0 =	vld.idx.msk [tilespmem:v28+s15+$0x0], $0xffff  }
0x15b: {  	[tilespmem:v30+s16+$0x0] =	vst.idx.msk $0xffff, v6;
	v28 =	vor.u32 s26, v15;
	v6 =	vld.idx.msk [tilespmem:v29+s15+$0x0], $0xffff  }
0x15c: {  	v32 =	vor.u32 s22, v52;
	v29 =	vadd.s32 $0x34, v2;
	[tilespmem:v7+s16+$0x0] =	vst.idx.msk $0xffff, v1;
	v1 =	vld.idx.msk [tilespmem:v59+s15+$0x0], $0xffff  }
0x15d: {  	v33 =	vor.u32 s19, v55;
	v26 =	vld.idx.msk [tilespmem:v34+s2+$0x0], $0xffff;
	[tilespmem:v5+s16+$0x0] =	vst.idx.msk $0xffff, v3  }
0x15e: {  	v30 =	vadd.s32 $0xA0, v19;
	v3 =	vld.idx.msk [tilespmem:v61+s15+$0x0], $0xffff;
	[tilespmem:v31+s16+$0x0] =	vst.idx.msk $0xffff, v4;
	v4 =	vor.u32 s21, v54  }
0x15f: {  	v62 =	vor.u32 s20, v22;
	v7 =	vadd.s32 $0x4A, v23;
	v5 =	vld.idx.msk [tilespmem:v27+s15+$0x0], $0xffff  }
0x160: {  	v14 =	vor.u32 $0x2A00, v51;
	[tilespmem:v28+s16+$0x0] =	vst.idx.msk $0xffff, v0;
	v0 =	vadd.s32 $0xC0, v18  }
0x161: {  	v63 =	vadd.s32 $0x8A, v21;
	[tilespmem:v32+s16+$0x0] =	vst.idx.msk $0xffff, v6;
	v27 =	vor.u32 s26, v14;
	v6 =	vld.idx.msk [tilespmem:v29+s15+$0x0], $0xffff  }
0x162: {  	[tilespmem:v33+s16+$0x0] =	vst.idx.msk $0xffff, v1  }
0x163: {  	v28 =	vor.u32 s22, v54;
	v1 =	vadd.s32 $0x54, v2;
	v29 =	vld.idx.msk [tilespmem:v30+s15+$0x0], $0xffff;
	[tilespmem:v4+s16+$0x0] =	vst.idx.msk $0xffff, v3  }
0x164: {  	v31 =	vor.u32 s19, v60;
	v7 =	vld.idx.msk [tilespmem:v7+s15+$0x0], $0xffff;
	v3 =	vadd.s32 $0x14, v26;
	[tilespmem:v62+s16+$0x0] =	vst.idx.msk $0xffff, v5  }
0x165: {  	v30 =	vadd.s32 $0xC0, v19;
	v4 =	vor.u32 s21, v35;
	v0 =	vld.idx.msk [tilespmem:v0+s15+$0x0], $0xffff;
	[tilespmem:$0x1FC80] =	vst v35  }
0x166: {  	v49 =	vor.u32 s20, v47;
	v48 =	vadd.s32 $0x6A, v23;
	v5 =	vld.idx.msk [tilespmem:v63+s15+$0x0], $0xffff;
	[tilespmem:v27+s16+$0x0] =	vst.idx.msk $0xffff, v6  }
0x167: {  	v16 =	vor.u32 $0x2C00, v51;
	v6 =	vadd.s32 $0xE0, v18;
	[tilespmem:$0x1FC90] =	vst v47  }
0x168: {  	[tilespmem:v28+s16+$0x0] =	vst.idx.msk $0xffff, v29;
	v1 =	vld.idx.msk [tilespmem:v1+s15+$0x0], $0xffff;
	v28 =	vor.u32 s26, v16  }
0x169: {  	v56 =	vor.u32 s25, v15;
	v27 =	vadd.s32 $0xAA, v21;
	[tilespmem:v31+s16+$0x0] =	vst.idx.msk $0xffff, v7;
	v3 =	vld.idx.msk [tilespmem:v3+s15+$0x0], $0xffff  }
0x16a: {  	v29 =	vor.u32 s22, v35;
	v7 =	vadd.s32 $0x74, v2;
	v30 =	vld.idx.msk [tilespmem:v30+s15+$0x0], $0xffff;
	[tilespmem:v4+s16+$0x0] =	vst.idx.msk $0xffff, v0  }
0x16b: {  	v50 =	vor.u32 s19, v22;
	v31 =	vadd.s32 $0xE0, v19;
	v32 =	vld.idx.msk [tilespmem:v48+s15+$0x0], $0xffff;
	[tilespmem:v49+s16+$0x0] =	vst.idx.msk $0xffff, v5  }
0x16c: {  	v53 =	vadd.s32 $0x8A, v23;
	v6 =	vld.idx.msk [tilespmem:v6+s15+$0x0], $0xffff;
	[tilespmem:$0x1FAE0] =	vst v36  }
0x16d: {  	s23 =	simm.s32 $0x60;
	[tilespmem:v28+s16+$0x0] =	vst.idx.msk $0xffff, v1  }
0x16e: {  	v0 =	vadd.s32 $0x34, v26;
	v4 =	vor.u32 s23, v51;
	v27 =	vld.idx.msk [tilespmem:v27+s15+$0x0], $0xffff;
	[tilespmem:v56+s16+$0x0] =	vst.idx.msk $0xffff, v3  }
0x16f: {  	s24 =	simm.s32 $0x70;
	v17 =	vor.u32 $0x2E00, v51;
	v4 =	vand.u32 v36, v4;
	v5 =	vor.u32 s21, v38;
	[tilespmem:v29+s16+$0x0] =	vst.idx.msk $0xffff, v30;
	v7 =	vld.idx.msk [tilespmem:v7+s15+$0x0], $0xffff  }
0x170: {  	v57 =	vor.u32 s24, v51;
	v1 =	vadd.s32 $0x100, v18;
	v28 =	vor.u32 s20, v41;
	[tilespmem:v50+s16+$0x0] =	vst.idx.msk $0xffff, v32;
	v29 =	vld.idx.msk [tilespmem:v31+s15+$0x0], $0xffff  }
0x171: {  	v3 =	vand.u32 v37, v57;
	v31 =	vor.u32 s26, v17;
	v33 =	vld.idx.msk [tilespmem:v53+s15+$0x0], $0xffff;
	[tilespmem:$0x1FAF0] =	vst v37  }
0x172: {  	v59 =	vor.u32 s22, v38;
	v30 =	vadd.s32 $0xCA, v21;
	[tilespmem:$0x1FB00] =	vst v38  }
0x173: {  	v58 =	vadd.s32 $0x94, v2;
	v62 =	vor.u32 s19, v47;
	v0 =	vld.idx.msk [tilespmem:v0+s15+$0x0], $0xffff  }
0x174: {  	v61 =	vadd.s32 $0x100, v19;
	v34 =	vld.idx.msk [tilespmem:v4+s2+$0x0], $0xffff;
	[tilespmem:v5+s16+$0x0] =	vst.idx.msk $0xffff, v6;
	v6 =	vor.u32 s25, v14  }
0x175: {  	v5 =	vadd.s32 $0xAA, v23;
	v1 =	vld.idx.msk [tilespmem:v1+s15+$0x0], $0xffff;
	[tilespmem:v28+s16+$0x0] =	vst.idx.msk $0xffff, v27  }
0x176: {  	v63 =	vor.u32 s21, v39;
	v27 =	vld.idx.msk [tilespmem:v3+s2+$0x0], $0xffff;
	[tilespmem:v31+s16+$0x0] =	vst.idx.msk $0xffff, v7  }
0x177: {  	v28 =	vadd.s32 $0x54, v26;
	v30 =	vld.idx.msk [tilespmem:v30+s15+$0x0], $0xffff;
	[tilespmem:v59+s16+$0x0] =	vst.idx.msk $0xffff, v29  }
0x178: {  	v7 =	vadd.s32 $0x120, v18;
	[tilespmem:v62+s16+$0x0] =	vst.idx.msk $0xffff, v33;
	v36 =	vld.idx.msk [tilespmem:v58+s15+$0x0], $0xffff  }
0x179: {  	v31 =	vor.u32 s20, v8;
	v18 =	vor.u32 $0x3000, v51;
	v48 =	vld.idx.msk [tilespmem:v61+s15+$0x0], $0xffff;
	[tilespmem:v6+s16+$0x0] =	vst.idx.msk $0xffff, v0  }
0x17a: {  	v29 =	vadd.s32 $0xEA, v21;
	v47 =	vor.u32 s26, v18;
	v0 =	vld.idx.msk [tilespmem:v5+s15+$0x0], $0xffff;
	[tilespmem:$0x1FB10] =	vst v39  }
0x17b: {  	v5 =	vor.u32 s22, v39;
	[tilespmem:v63+s16+$0x0] =	vst.idx.msk $0xffff, v1  }
0x17c: {  	v49 =	vadd.s32 $0xB4, v2;
	v1 =	vld.idx.msk [tilespmem:v28+s15+$0x0], $0xffff;
	v28 =	vor.u32 s19, v41;
	[tilespmem:$0x1FB20] =	vst v41  }
0x17d: {  	v6 =	vadd.s32 $0x120, v19;
	v7 =	vld.idx.msk [tilespmem:v7+s15+$0x0], $0xffff  }
0x17e: {  	[tilespmem:v31+s16+$0x0] =	vst.idx.msk $0xffff, v30;
	v31 =	vor.u32 s21, v40;
	v56 =	vld.idx.msk [tilespmem:v34+s15+$0x0], $0xffff  }
0x17f: {  	v30 =	vadd.s32 $0xCA, v23;
	v50 =	vld.idx.msk [tilespmem:v29+s15+$0x0], $0xffff;
	[tilespmem:v47+s16+$0x0] =	vst.idx.msk $0xffff, v36  }
0x180: {  	v53 =	vor.u32 s20, v9;
	v19 =	vor.u32 $0x3200, v51;
	[tilespmem:v5+s16+$0x0] =	vst.idx.msk $0xffff, v48;
	v5 =	vld.idx.msk [tilespmem:v27+s15+$0x0], $0xffff  }
0x181: {  	v58 =	vor.u32 s26, v19;
	v35 =	vld.idx.msk [tilespmem:v49+s15+$0x0], $0xffff;
	[tilespmem:v28+s16+$0x0] =	vst.idx.msk $0xffff, v0  }
0x182: {  	v6 =	vld.idx.msk [tilespmem:v6+s15+$0x0], $0xffff;
	[tilespmem:$0x1FB30] =	vst v40  }
0x183: {  	v57 =	vadd.s32 $0x10A, v21;
	[tilespmem:v31+s16+$0x0] =	vst.idx.msk $0xffff, v7  }
0x184: {  	v59 =	vadd.s32 $0xD4, v2;
	v62 =	vor.u32 s25, v16;
	v7 =	vld.idx.msk [tilespmem:v30+s15+$0x0], $0xffff;
	[tilespmem:$0x1FB40] =	vst v8  }
0x185: {  	v0 =	vadd.s32 $0x20, v34;
	v28 =	vor.u32 s22, v40;
	[tilespmem:v53+s16+$0x0] =	vst.idx.msk $0xffff, v50  }
0x186: {  	v61 =	vadd.s32 $0x20, v27;
	v30 =	vor.u32 s19, v8;
	[tilespmem:v58+s16+$0x0] =	vst.idx.msk $0xffff, v35  }
0x187: {  	v29 =	vld.idx.msk [tilespmem:v20+s2+$0x0], $0xffff;
	[tilespmem:v4+s16+$0x0] =	vst.idx.msk $0xffff, v56  }
0x188: {  	v31 =	vadd.s32 $0xEA, v23;
	[tilespmem:v3+s16+$0x0] =	vst.idx.msk $0xffff, v5;
	v63 =	vld.idx.msk [tilespmem:v57+s15+$0x0], $0xffff  }
0x189: {  	v4 =	vor.u32 s20, v10;
	[tilespmem:v62+s16+$0x0] =	vst.idx.msk $0xffff, v1;
	v33 =	vld.idx.msk [tilespmem:v59+s15+$0x0], $0xffff  }
0x18a: {  	v47 =	vadd.s32 $0x74, v26;
	v8 =	vor.u32 $0x3400, v51;
	v0 =	vld.idx.msk [tilespmem:v0+s15+$0x0], $0xffff;
	[tilespmem:v28+s16+$0x0] =	vst.idx.msk $0xffff, v6  }
0x18b: {  	v3 =	vadd.s32 $0x12A, v21;
	v5 =	vor.u32 s26, v8;
	v48 =	vld.idx.msk [tilespmem:v61+s15+$0x0], $0xffff;
	[tilespmem:v30+s16+$0x0] =	vst.idx.msk $0xffff, v7  }
0x18c: {  	v38 =	vor.u32 s23, v42;
	v6 =	vadd.s32 $0xF4, v2;
	v40 =	vld.idx.msk [tilespmem:v24+s2+$0x0], $0xffff;
	[tilespmem:$0x1FB50] =	vst v42  }
0x18d: {  	v37 =	vor.u32 s24, v42;
	v28 =	vadd.s32 $0x40, v34;
	v7 =	vld.idx.msk [tilespmem:v31+s15+$0x0], $0xffff;
	[tilespmem:$0x1FB60] =	vst v9  }
0x18e: {  	v24 =	vadd.s32 $0x40, v27;
	v30 =	vor.u32 s19, v9;
	[tilespmem:v4+s16+$0x0] =	vst.idx.msk $0xffff, v63  }
0x18f: {  	v1 =	vadd.s32 $0xA, v29;
	v4 =	vld.idx.msk [tilespmem:v47+s15+$0x0], $0xffff;
	[tilespmem:$0x1FB70] =	vst v17  }
0x190: {  	v50 =	vor.u32 s25, v17;
	v3 =	vld.idx.msk [tilespmem:v3+s15+$0x0], $0xffff;
	[tilespmem:v5+s16+$0x0] =	vst.idx.msk $0xffff, v33  }
0x191: {  	v49 =	vadd.s32 $0x10A, v23;
	[tilespmem:v38+s16+$0x0] =	vst.idx.msk $0xffff, v0;
	v0 =	vor.u32 s20, v11;
	v6 =	vld.idx.msk [tilespmem:v6+s15+$0x0], $0xffff  }
0x192: {  	v9 =	vor.u32 $0x3600, v51;
	v5 =	vadd.s32 $0x94, v26;
	[tilespmem:v37+s16+$0x0] =	vst.idx.msk $0xffff, v48;
	v28 =	vld.idx.msk [tilespmem:v28+s15+$0x0], $0xffff  }
0x193: {  	v53 =	vor.u32 s26, v9;
	v58 =	vld.idx.msk [tilespmem:v24+s15+$0x0], $0xffff;
	[tilespmem:v30+s16+$0x0] =	vst.idx.msk $0xffff, v7  }
0x194: {  	v1 =	vld.idx.msk [tilespmem:v1+s15+$0x0], $0xffff;
	[tilespmem:$0x1FB80] =	vst v43  }
0x195: {  	v56 =	vadd.s32 $0x114, v2;
	v31 =	vor.u32 s23, v43;
	[tilespmem:v50+s16+$0x0] =	vst.idx.msk $0xffff, v4  }
0x196: {  	v57 =	vadd.s32 $0x60, v34;
	v59 =	vor.u32 s21, v45;
	v32 =	vld.idx.msk [tilespmem:v49+s15+$0x0], $0xffff;
	[tilespmem:v0+s16+$0x0] =	vst.idx.msk $0xffff, v3  }
0x197: {  	v30 =	vor.u32 s24, v43;
	v7 =	vadd.s32 $0x2A, v29;
	v0 =	vld.idx.msk [tilespmem:v5+s15+$0x0], $0xffff;
	[tilespmem:$0x1FB90] =	vst v10  }
0x198: {  	v4 =	vadd.s32 $0x60, v27;
	v3 =	vor.u32 s19, v10;
	[tilespmem:v53+s16+$0x0] =	vst.idx.msk $0xffff, v6  }
0x199: {  	v5 =	vadd.s32 $0xA, v40;
	v24 =	vld.idx.msk [tilespmem:v46+s2+$0x0], $0xffff;
	[tilespmem:$0x1FBA0] =	vst v18  }
0x19a: {  	v6 =	vadd.s32 $0x12A, v23;
	v23 =	vor.u32 s25, v18;
	[tilespmem:v31+s16+$0x0] =	vst.idx.msk $0xffff, v28;
	v28 =	vld.idx.msk [tilespmem:v56+s15+$0x0], $0xffff  }
0x19b: {  	v10 =	vor.u32 $0x3800, v51;
	[tilespmem:v59+s16+$0x0] =	vst.idx.msk $0xffff, v1;
	v62 =	vld.idx.msk [tilespmem:v57+s15+$0x0], $0xffff  }
0x19c: {  	v1 =	vor.u32 s26, v10;
	[tilespmem:v30+s16+$0x0] =	vst.idx.msk $0xffff, v58;
	v7 =	vld.idx.msk [tilespmem:v7+s15+$0x0], $0xffff  }
0x19d: {  	v61 =	vadd.s32 $0xB4, v26;
	v4 =	vld.idx.msk [tilespmem:v4+s15+$0x0], $0xffff;
	[tilespmem:v3+s16+$0x0] =	vst.idx.msk $0xffff, v32  }
0x19e: {  	v63 =	vor.u32 s23, v44;
	v5 =	vld.idx.msk [tilespmem:v5+s15+$0x0], $0xffff;
	[tilespmem:$0x1FBB0] =	vst v44  }
0x19f: {  	v53 =	vor.u32 s21, v55;
	[tilespmem:v23+s16+$0x0] =	vst.idx.msk $0xffff, v0  }
0x1a0: {  	v2 =	vadd.s32 $0x134, v2;
	v6 =	vld.idx.msk [tilespmem:v6+s15+$0x0], $0xffff;
	[tilespmem:$0x1FBC0] =	vst v45  }
0x1a1: {  	v17 =	vadd.s32 $0x80, v34;
	v56 =	vor.u32 s24, v44;
	[tilespmem:v1+s16+$0x0] =	vst.idx.msk $0xffff, v28  }
0x1a2: {  	v33 =	vadd.s32 $0x114, v26;
	v43 =	vadd.s32 $0xD4, v26;
	v3 =	vadd.s32 $0x4A, v29;
	v1 =	vld.idx.msk [tilespmem:v61+s15+$0x0], $0xffff;
	[tilespmem:$0x1FBD0] =	vst v11  }
0x1a3: {  	v46 =	vadd.s32 $0xF4, v26;
	v57 =	vor.u32 s22, v45;
	v0 =	vadd.s32 $0x14, v24;
	[tilespmem:v63+s16+$0x0] =	vst.idx.msk $0xffff, v62  }
0x1a4: {  	v58 =	vor.u32 s19, v11;
	v23 =	vadd.s32 $0x134, v26;
	v26 =	vadd.s32 $0x80, v27;
	[tilespmem:v53+s16+$0x0] =	vst.idx.msk $0xffff, v7  }
0x1a5: {  	v59 =	vadd.s32 $0x2A, v40;
	v11 =	vld.idx.msk [tilespmem:v2+s15+$0x0], $0xffff;
	[tilespmem:$0x1FBE0] =	vst v19  }
0x1a6: {  	v2 =	vor.u32 s25, v19;
	v7 =	vld.idx.msk [tilespmem:v17+s15+$0x0], $0xffff;
	[tilespmem:v56+s16+$0x0] =	vst.idx.msk $0xffff, v4  }
0x1a7: {  	v42 =	vadd.s32 $0x120, v27;
	v49 =	vadd.s32 $0xE0, v27;
	v45 =	vadd.s32 $0x100, v27;
	v3 =	vld.idx.msk [tilespmem:v3+s15+$0x0], $0xffff;
	[tilespmem:$0x1FBF0] =	vst v8  }
0x1a8: {  	v28 =	vadd.s32 $0xA0, v27;
	v63 =	vadd.s32 $0xC0, v27;
	v27 =	vor.u32 s23, v52;
	v0 =	vld.idx.msk [tilespmem:v0+s15+$0x0], $0xffff;
	[tilespmem:v57+s16+$0x0] =	vst.idx.msk $0xffff, v5  }
0x1a9: {  	v61 =	vor.u32 s21, v60;
	v5 =	vld.idx.msk [tilespmem:v26+s15+$0x0], $0xffff;
	[tilespmem:v58+s16+$0x0] =	vst.idx.msk $0xffff, v6  }
0x1aa: {  	v17 =	vadd.s32 $0xA0, v34;
	v6 =	vld.idx.msk [tilespmem:v59+s15+$0x0], $0xffff;
	[tilespmem:$0x1FC00] =	vst v52  }
0x1ab: {  	v50 =	vor.u32 s20, v15;
	[tilespmem:v2+s16+$0x0] =	vst.idx.msk $0xffff, v1  }
0x1ac: {  	v48 =	vadd.s32 $0x6A, v29;
	v62 =	vor.u32 s24, v52;
	v1 =	vld.idx.msk [tilespmem:v25+s2+$0x0], $0xffff;
	[tilespmem:$0x1FC10] =	vst v55  }
0x1ad: {  	v53 =	vadd.s32 $0x34, v24;
	v2 =	vor.u32 s22, v55;
	[tilespmem:v27+s16+$0x0] =	vst.idx.msk $0xffff, v7  }
0x1ae: {  	v7 =	vld.idx.msk [tilespmem:v43+s15+$0x0], $0xffff;
	[tilespmem:v61+s16+$0x0] =	vst.idx.msk $0xffff, v3  }
0x1af: {  	v4 =	vor.u32 s25, v8;
	v3 =	vld.idx.msk [tilespmem:v17+s15+$0x0], $0xffff;
	[tilespmem:$0x1FC20] =	vst v9  }
0x1b0: {  	v26 =	vadd.s32 $0x4A, v40;
	v27 =	vor.u32 s23, v54;
	[tilespmem:v50+s16+$0x0] =	vst.idx.msk $0xffff, v0  }
0x1b1: {  	v0 =	vld.idx.msk [tilespmem:v48+s15+$0x0], $0xffff;
	v48 =	vor.u32 s21, v22;
	[tilespmem:v62+s16+$0x0] =	vst.idx.msk $0xffff, v5  }
0x1b2: {  	v32 =	vadd.s32 $0xC0, v34;
	v56 =	vor.u32 s20, v14;
	v5 =	vld.idx.msk [tilespmem:v53+s15+$0x0], $0xffff;
	[tilespmem:v2+s16+$0x0] =	vst.idx.msk $0xffff, v6  }
0x1b3: {  	v53 =	vadd.s32 $0x8A, v29;
	v2 =	vld.idx.msk [tilespmem:v28+s15+$0x0], $0xffff;
	[tilespmem:$0x1FC30] =	vst v60  }
0x1b4: {  	v58 =	vor.u32 s25, v9;
	v9 =	vor.u32 s24, v54;
	[tilespmem:v4+s16+$0x0] =	vst.idx.msk $0xffff, v7  }
0x1b5: {  	v61 =	vadd.s32 $0x54, v24;
	v4 =	vld.idx.msk [tilespmem:v26+s15+$0x0], $0xffff;
	[tilespmem:v27+s16+$0x0] =	vst.idx.msk $0xffff, v3  }
0x1b6: {  	v17 =	vld.idx.msk [tilespmem:v46+s15+$0x0], $0xffff;
	[tilespmem:v48+s16+$0x0] =	vst.idx.msk $0xffff, v0  }
0x1b7: {  	v3 =	vld.idx.msk [tilespmem:v32+s15+$0x0], $0xffff;
	[tilespmem:v56+s16+$0x0] =	vst.idx.msk $0xffff, v5  }
0x1b8: {  	v25 =	vor.u32 $0x3A00, v51;
	v6 =	vor.u32 s22, v60;
	v62 =	vld.idx.msk [tilespmem:v53+s15+$0x0], $0xffff;
	[tilespmem:$0x1FC40] =	vst v10  }
0x1b9: {  	v59 =	vor.u32 s26, v25;
	[tilespmem:v9+s16+$0x0] =	vst.idx.msk $0xffff, v2  }
0x1ba: {  	v20 =	vlaneseq.u32;
	v47 =	vadd.s32 $0xAA, v40;
	v56 =	vld.idx.msk [tilespmem:v61+s15+$0x0], $0xffff;
	[tilespmem:$0x1FC50] =	vst v15  }
0x1bb: {  	v41 =	vadd.s32 $0xEA, v40;
	v39 =	vadd.s32 $0x10A, v40;
	v36 =	vadd.s32 $0x12A, v40;
	[tilespmem:$0x1FC60] =	vst v22  }
0x1bc: {  	v44 =	vadd.s32 $0xCA, v40;
	v57 =	vadd.s32 $0x6A, v40;
	v52 =	vadd.s32 $0x8A, v40;
	[tilespmem:$0x1FC70] =	vst v14  }
0x1bd: {  	v21 =	vmovc v54;
	v51 =	vor.u32 s19, v16;
	v55 =	vadd.s32 $0x14, v1;
	v54 =	vadd.s32 $0x34, v1;
	[tilespmem:v6+s16+$0x0] =	vst.idx.msk $0xffff, v4  }
0x1be: {  	v50 =	vadd.s32 $0x54, v1;
	v43 =	vadd.s32 $0x74, v1;
	v40 =	vadd.s32 $0x94, v1;
	v0 =	vld [tilespmem:$0x1FC80];
	[tilespmem:v59+s16+$0x0] =	vst.idx.msk $0xffff, v11  }
0x1bf: {  	v35 =	vadd.s32 $0xB4, v1;
	v28 =	vadd.s32 $0xF4, v1;
	v60 =	vor.u32 s22, v22;
	v8 =	vld [tilespmem:$0x1FC90]  }
0x1c0: {  	v26 =	vor.u32 s25, v25;
	v7 =	vadd.s32 $0xE0, v34;
	v46 =	vadd.s32 $0x114, v1  }
0x1c1: {  	v27 =	vadd.s32 $0x134, v1;
	v32 =	vadd.s32 $0xD4, v1;
	v48 =	vor.u32 s25, v10  }
0x1c2: {  	v53 =	vor.u32 s19, v14;
	v2 =	vor.u32 s19, v15;
	v5 =	vld.idx.msk [tilespmem:v63+s15+$0x0], $0xffff;
	v63 =	vadd.s32 $0xAA, v29;
	[tilespmem:v58+s16+$0x0] =	vst.idx.msk $0xffff, v17  }
0x1c3: {  	v58 =	vor.u32 s20, v16;
	v6 =	vor.u32 s23, v0;
	v22 =	vmovc v0;
	v4 =	vor.u32 s24, v0;
	v0 =	vld.idx.msk [tilespmem:v57+s15+$0x0], $0xffff  }
0x1c4: {  	s26 =	simm.s32 $0x90;
	s25 =	simm.s32 $0x6;
	v57 =	vld.idx.msk [tilespmem:v55+s15+$0x0], $0xffff;
	v55 =	vadd.s32 $0x74, v24;
	[tilespmem:$0x1FCA0] =	vst v16;
	v1 =	vor.u32 s21, v8;
	v61 =	vor.u32 s22, v8  }
.LBB2_2:
0x1c5: {  	_ =	sdelay $0x2  }
0x1c6: {  	[tilespmem:v6+s16+$0x0] =	vst.idx.msk $0xffff, v3;
	v3 =	vld.idx.msk [tilespmem:v33+s15+$0x0], $0xffff  }
0x1c7: {  	v8 =	vld [tilespmem:$0x1FAF0]  }
0x1c8: {  	v7 =	vld.idx.msk [tilespmem:v7+s15+$0x0], $0xffff  }
0x1c9: {  	[tilespmem:v1+s16+$0x0] =	vst.idx.msk $0xffff, v62;
	v1 =	vld [tilespmem:$0x1FAE0]  }
0x1ca: {  	v9 =	vld [tilespmem:$0x1FB00]  }
0x1cb: {  	v10 =	vld [tilespmem:$0x1FB20]  }
0x1cc: {  	s28 =	sadd.s32 $0xFFFFFFF0, s26;
	v59 =	vor.u32 s26, v20;
	v33 =	vmov v46;
	v46 =	vld.idx.msk [tilespmem:v63+s15+$0x0], $0xffff;
	[tilespmem:v4+s16+$0x0] =	vst.idx.msk $0xffff, v5  }
0x1cd: {  	v6 =	vor.u32 s28, v20;
	[tilespmem:v58+s16+$0x0] =	vst.idx.msk $0xffff, v56;
	v58 =	vand.u32 v8, v59;
	v8 =	vld [tilespmem:$0x1FB70]  }
0x1ce: {  	v49 =	vld.idx.msk [tilespmem:v49+s15+$0x0], $0xffff;
	[tilespmem:v60+s16+$0x0] =	vst.idx.msk $0xffff, v0;
	v1 =	vand.u32 v1, v6  }
0x1cf: {  	v60 =	vld.idx.msk [tilespmem:v52+s15+$0x0], $0xffff;
	v6 =	vor.u32 s23, v9  }
0x1d0: {  	v56 =	vadd.s32 $0x100, v34;
	[tilespmem:v2+s16+$0x0] =	vst.idx.msk $0xffff, v57;
	v4 =	vor.u32 s21, v10;
	v5 =	vld.idx.msk [tilespmem:v55+s15+$0x0], $0xffff  }
0x1d1: {  	v55 =	vadd.s32 $0xCA, v29;
	v2 =	vld.idx.msk [tilespmem:v54+s15+$0x0], $0xffff  }
0x1d2: {  	v0 =	vor.u32 s20, v8;
	v52 =	vor.u32 s19, v8;
	v8 =	vld [tilespmem:$0x1FB40]  }
0x1d3: {  	v16 =	vor.u32 s24, v9;
	[tilespmem:v48+s16+$0x0] =	vst.idx.msk $0xffff, v3;
	v3 =	vld.idx.msk [tilespmem:v1+s2+$0x0], $0xffff  }
0x1d4: {  	[tilespmem:v6+s16+$0x0] =	vst.idx.msk $0xffff, v7;
	v7 =	vld [tilespmem:$0x1FB10]  }
0x1d5: {  	v6 =	vld.idx.msk [tilespmem:v56+s15+$0x0], $0xffff;
	[tilespmem:v4+s16+$0x0] =	vst.idx.msk $0xffff, v46  }
0x1d6: {  	v46 =	vld.idx.msk [tilespmem:v55+s15+$0x0], $0xffff  }
0x1d7: {  	v17 =	vadd.s32 $0x94, v24;
	[tilespmem:v0+s16+$0x0] =	vst.idx.msk $0xffff, v5;
	v5 =	vor.u32 s21, v8;
	v56 =	vor.u32 s22, v8;
	v8 =	vld [tilespmem:$0x1FBA0]  }
0x1d8: {  	v62 =	vor.u32 s22, v10;
	v10 =	vld [tilespmem:$0x1FB60];
	[tilespmem:v16+s16+$0x0] =	vst.idx.msk $0xffff, v49  }
0x1d9: {  	v54 =	vld.idx.msk [tilespmem:v58+s2+$0x0], $0xffff;
	[tilespmem:v61+s16+$0x0] =	vst.idx.msk $0xffff, v60  }
0x1da: {  	v45 =	vld.idx.msk [tilespmem:v45+s15+$0x0], $0xffff;
	v4 =	vor.u32 s23, v7  }
0x1db: {  	[tilespmem:v53+s16+$0x0] =	vst.idx.msk $0xffff, v2;
	v2 =	vld [tilespmem:$0x1FB30];
	v0 =	vadd.s32 $0x120, v34  }
0x1dc: {  	v16 =	vld.idx.msk [tilespmem:v17+s15+$0x0], $0xffff;
	v17 =	vadd.s32 $0xEA, v29;
	v61 =	vor.u32 s20, v8  }
0x1dd: {  	v11 =	vld [tilespmem:$0x1FBE0];
	v63 =	vadd.s32 $0xB4, v24;
	v7 =	vor.u32 s24, v7  }
0x1de: {  	v47 =	vld.idx.msk [tilespmem:v47+s15+$0x0], $0xffff  }
0x1df: {  	v34 =	vmov v3;
	v3 =	vld.idx.msk [tilespmem:v50+s15+$0x0], $0xffff;
	[tilespmem:v4+s16+$0x0] =	vst.idx.msk $0xffff, v6  }
0x1e0: {  	v4 =	vor.u32 s23, v2;
	v0 =	vld.idx.msk [tilespmem:v0+s15+$0x0], $0xffff;
	[tilespmem:v5+s16+$0x0] =	vst.idx.msk $0xffff, v46  }
0x1e1: {  	v50 =	vor.u32 s21, v10;
	v6 =	vld.idx.msk [tilespmem:v17+s15+$0x0], $0xffff;
	[tilespmem:v61+s16+$0x0] =	vst.idx.msk $0xffff, v16  }
0x1e2: {  	[tilespmem:v7+s16+$0x0] =	vst.idx.msk $0xffff, v45;
	v7 =	vadd.s32 $0x10A, v29;
	v57 =	vld.idx.msk [tilespmem:v63+s15+$0x0], $0xffff  }
0x1e3: {  	v63 =	vld.idx.msk [tilespmem:v54+s15+$0x0], $0xffff;
	[tilespmem:v62+s16+$0x0] =	vst.idx.msk $0xffff, v47  }
0x1e4: {  	v61 =	vor.u32 s20, v11;
	v9 =	vld.idx.msk [tilespmem:v42+s15+$0x0], $0xffff;
	[tilespmem:v51+s16+$0x0] =	vst.idx.msk $0xffff, v3  }
0x1e5: {  	v59 =	vld.idx.msk [tilespmem:v34+s15+$0x0], $0xffff;
	[tilespmem:v4+s16+$0x0] =	vst.idx.msk $0xffff, v0  }
0x1e6: {  	v17 =	vadd.s32 $0x20, v34;
	v3 =	vld.idx.msk [tilespmem:v38+s2+$0x0], $0xffff;
	[tilespmem:v50+s16+$0x0] =	vst.idx.msk $0xffff, v6  }
0x1e7: {  	v6 =	vld.idx.msk [tilespmem:v7+s15+$0x0], $0xffff  }
0x1e8: {  	v7 =	vld [tilespmem:$0x1FB90]  }
0x1e9: {  	v16 =	vadd.s32 $0xD4, v24;
	v62 =	vld [tilespmem:$0x1FB50];
	[tilespmem:v61+s16+$0x0] =	vst.idx.msk $0xffff, v57  }
0x1ea: {  	v53 =	vadd.s32 $0x20, v54;
	v5 =	vor.u32 s24, v2;
	v0 =	vld.idx.msk [tilespmem:v44+s15+$0x0], $0xffff;
	[tilespmem:v1+s16+$0x0] =	vst.idx.msk $0xffff, v59  }
0x1eb: {  	v47 =	vld.idx.msk [tilespmem:v17+s15+$0x0], $0xffff  }
0x1ec: {  	v17 =	vld [tilespmem:$0x1FBF0]  }
0x1ed: {  	v1 =	vor.u32 s21, v7  }
0x1ee: {  	[tilespmem:v58+s16+$0x0] =	vst.idx.msk $0xffff, v63;
	v44 =	vld.idx.msk [tilespmem:v16+s15+$0x0], $0xffff;
	v16 =	vadd.s32 $0x12A, v29  }
0x1ef: {  	v4 =	vor.u32 s22, v10;
	v10 =	vor.u32 s26, v62;
	v53 =	vld.idx.msk [tilespmem:v53+s15+$0x0], $0xffff;
	[tilespmem:v5+s16+$0x0] =	vst.idx.msk $0xffff, v9  }
0x1f0: {  	v58 =	vld.idx.msk [tilespmem:v37+s2+$0x0], $0xffff;
	[tilespmem:v56+s16+$0x0] =	vst.idx.msk $0xffff, v0;
	v37 =	vmov v10  }
0x1f1: {  	v41 =	vld.idx.msk [tilespmem:v41+s15+$0x0], $0xffff;
	v61 =	vor.u32 s20, v17  }
0x1f2: {  	v60 =	vadd.s32 $0x40, v54;
	v51 =	vor.u32 s19, v17;
	v17 =	vld [tilespmem:$0x1FC20];
	[tilespmem:v1+s16+$0x0] =	vst.idx.msk $0xffff, v6  }
0x1f3: {  	v0 =	vadd.s32 $0xA, v3;
	v29 =	vmov v3;
	v3 =	vld.idx.msk [tilespmem:v16+s15+$0x0], $0xffff  }
0x1f4: {  	v38 =	vor.u32 s28, v62;
	v16 =	vld [tilespmem:$0x1FBD0]  }
0x1f5: {  	v5 =	vadd.s32 $0xF4, v24;
	v1 =	vld.idx.msk [tilespmem:v43+s15+$0x0], $0xffff;
	[tilespmem:v37+s16+$0x0] =	vst.idx.msk $0xffff, v53  }
0x1f6: {  	v63 =	vadd.s32 $0x40, v34;
	[tilespmem:v61+s16+$0x0] =	vst.idx.msk $0xffff, v44;
	v44 =	vld [tilespmem:$0x1FB80]  }
0x1f7: {  	v60 =	vld.idx.msk [tilespmem:v60+s15+$0x0], $0xffff;
	[tilespmem:v4+s16+$0x0] =	vst.idx.msk $0xffff, v41  }
0x1f8: {  	v55 =	vadd.s32 $0xC0, v54;
	v49 =	vadd.s32 $0xE0, v54;
	v14 =	vld.idx.msk [tilespmem:v39+s15+$0x0], $0xffff  }
0x1f9: {  	v48 =	vor.u32 s19, v8;
	v8 =	vadd.s32 $0x60, v54;
	[tilespmem:v38+s16+$0x0] =	vst.idx.msk $0xffff, v47;
	v47 =	vld [tilespmem:$0x1FBC0];
	v6 =	vor.u32 s21, v16  }
0x1fa: {  	v45 =	vadd.s32 $0x100, v54;
	v2 =	vadd.s32 $0x80, v54;
	v53 =	vor.u32 s20, v17;
	v5 =	vld.idx.msk [tilespmem:v5+s15+$0x0], $0xffff  }
0x1fb: {  	v46 =	vadd.s32 $0xA0, v54;
	v42 =	vadd.s32 $0x120, v54;
	v9 =	vld.idx.msk [tilespmem:v63+s15+$0x0], $0xffff;
	v54 =	vor.u32 s28, v44  }
0x1fc: {  	v56 =	vadd.s32 $0x114, v24;
	v59 =	vor.u32 s19, v17;
	v17 =	vld [tilespmem:$0x1FC40]  }
0x1fd: {  	v50 =	vor.u32 s19, v11;
	v7 =	vor.u32 s22, v7;
	v61 =	vadd.s32 $0x60, v34;
	[tilespmem:v52+s16+$0x0] =	vst.idx.msk $0xffff, v1;
	v0 =	vld.idx.msk [tilespmem:v0+s15+$0x0], $0xffff  }
0x1fe: {  	v10 =	vadd.s32 $0xA, v58;
	v43 =	vor.u32 s22, v16;
	v16 =	vld [tilespmem:$0x1FBB0];
	v63 =	vor.u32 s23, v47;
	[tilespmem:v6+s16+$0x0] =	vst.idx.msk $0xffff, v3  }
0x1ff: {  	v15 =	vadd.s32 $0x4A, v58;
	v57 =	vadd.s32 $0x6A, v58;
	v4 =	vadd.s32 $0x2A, v29;
	v6 =	vld.idx.msk [tilespmem:v12+s2+$0x0], $0xffff;
	[tilespmem:v53+s16+$0x0] =	vst.idx.msk $0xffff, v5  }
0x200: {  	v41 =	vadd.s32 $0xEA, v58;
	v39 =	vadd.s32 $0x10A, v58;
	v1 =	vadd.s32 $0x2A, v58;
	v3 =	vld.idx.msk [tilespmem:v40+s15+$0x0], $0xffff;
	[tilespmem:v54+s16+$0x0] =	vst.idx.msk $0xffff, v9  }
0x201: {  	v52 =	vadd.s32 $0x8A, v58;
	v62 =	vor.u32 s26, v44;
	v44 =	vadd.s32 $0xCA, v58;
	v5 =	vld.idx.msk [tilespmem:v56+s15+$0x0], $0xffff  }
0x202: {  	v11 =	vor.u32 s24, v47;
	v47 =	vadd.s32 $0xAA, v58;
	v40 =	vor.u32 s20, v17;
	v9 =	vld.idx.msk [tilespmem:v61+s15+$0x0], $0xffff  }
0x203: {  	v53 =	vor.u32 s28, v16;
	[tilespmem:v63+s16+$0x0] =	vst.idx.msk $0xffff, v0;
	v0 =	vadd.s32 $0x12A, v58;
	v58 =	vor.u32 s26, v16;
	v16 =	vld [tilespmem:$0x1FC10];
	_ =	sdelay $0x1  }
0x204: {  	v12 =	vmov v31;
	v31 =	vmov v54;
	v54 =	vadd.s32 $0x134, v24  }
0x205: {  	[tilespmem:v62+s16+$0x0] =	vst.idx.msk $0xffff, v60;
	v56 =	vadd.s32 $0x80, v34  }
0x206: {  	v8 =	vld.idx.msk [tilespmem:v8+s15+$0x0], $0xffff;
	[tilespmem:v7+s16+$0x0] =	vst.idx.msk $0xffff, v14  }
0x207: {  	v4 =	vld.idx.msk [tilespmem:v4+s15+$0x0], $0xffff;
	v60 =	vor.u32 s23, v16;
	[tilespmem:v40+s16+$0x0] =	vst.idx.msk $0xffff, v5  }
0x208: {  	v10 =	vld.idx.msk [tilespmem:v10+s15+$0x0], $0xffff;
	[tilespmem:v53+s16+$0x0] =	vst.idx.msk $0xffff, v9  }
0x209: {  	v5 =	vld.idx.msk [tilespmem:v54+s15+$0x0], $0xffff  }
0x20a: {  	[tilespmem:v48+s16+$0x0] =	vst.idx.msk $0xffff, v3;
	v3 =	vadd.s32 $0x14, v6;
	v24 =	vmov v6;
	v6 =	vld.idx.msk [tilespmem:v56+s15+$0x0], $0xffff  }
0x20b: {  	v56 =	vld [tilespmem:$0x1FC00]  }
0x20c: {  	v7 =	vadd.s32 $0x4A, v29;
	[tilespmem:v60+s16+$0x0] =	vst.idx.msk $0xffff, v4;
	v60 =	vld [tilespmem:$0x1FC30];
	_ =	sdelay $0x1  }
0x20d: {  	v61 =	vld.idx.msk [tilespmem:v36+s15+$0x0], $0xffff  }
0x20e: {  	v4 =	vor.u32 s20, v25;
	s20 =	smov.u32 s21;
	s21 =	smov.u32 s23;
	s23 =	smov.u32 s28  }
0x20f: {  	v36 =	vmov v0;
	v0 =	vld.idx.msk [tilespmem:v35+s15+$0x0], $0xffff;
	[tilespmem:v58+s16+$0x0] =	vst.idx.msk $0xffff, v8;
	v35 =	vor.u32 s23, v56  }
0x210: {  	v40 =	vadd.s32 $0xA0, v34;
	[tilespmem:v11+s16+$0x0] =	vst.idx.msk $0xffff, v10;
	v7 =	vld.idx.msk [tilespmem:v7+s15+$0x0], $0xffff;
	v53 =	vor.u32 s21, v60  }
0x211: {  	v63 =	vadd.s32 $0x6A, v29;
	v10 =	vld.idx.msk [tilespmem:v2+s15+$0x0], $0xffff  }
0x212: {  	v2 =	vld [tilespmem:$0x1FC50];
	[tilespmem:v43+s16+$0x0] =	vst.idx.msk $0xffff, v61  }
0x213: {  	v3 =	vld.idx.msk [tilespmem:v3+s15+$0x0], $0xffff;
	[tilespmem:v4+s16+$0x0] =	vst.idx.msk $0xffff, v5  }
0x214: {  	v1 =	vld.idx.msk [tilespmem:v1+s15+$0x0], $0xffff;
	[tilespmem:v35+s16+$0x0] =	vst.idx.msk $0xffff, v6  }
0x215: {  	v8 =	vor.u32 s26, v56;
	v4 =	vld.idx.msk [tilespmem:v40+s15+$0x0], $0xffff;
	[tilespmem:v53+s16+$0x0] =	vst.idx.msk $0xffff, v7  }
0x216: {  	v48 =	vor.u32 s19, v17;
	v14 =	vor.u32 s24, v16;
	v9 =	vor.u32 s19, v25;
	s19 =	smov.u32 s22;
	s22 =	smov.u32 s24;
	v6 =	vld.idx.msk [tilespmem:v63+s15+$0x0], $0xffff  }
0x217: {  	[tilespmem:v50+s16+$0x0] =	vst.idx.msk $0xffff, v0;
	v58 =	vor.u32 s22, v60;
	v60 =	vor.u32 s20, v2;
	v63 =	vld [tilespmem:$0x1FC60]  }
0x218: {  	v0 =	vld.idx.msk [tilespmem:v32+s15+$0x0], $0xffff  }
0x219: {  	v18 =	vld [tilespmem:$0x1FC70];
	v61 =	vadd.s32 $0x34, v24  }
0x21a: {  	v16 =	vld.idx.msk [tilespmem:v13+s2+$0x0], $0xffff;
	[tilespmem:v8+s16+$0x0] =	vst.idx.msk $0xffff, v10  }
0x21b: {  	v5 =	vor.u32 s23, v21;
	v10 =	vld.idx.msk [tilespmem:v46+s15+$0x0], $0xffff;
	[tilespmem:v14+s16+$0x0] =	vst.idx.msk $0xffff, v1  }
0x21c: {  	v14 =	vld.idx.msk [tilespmem:v15+s15+$0x0], $0xffff;
	[tilespmem:v60+s16+$0x0] =	vst.idx.msk $0xffff, v3;
	v3 =	vadd.s32 $0xC0, v34;
	v7 =	vor.u32 s21, v63  }
0x21d: {  	v11 =	vadd.s32 $0x8A, v29;
	[tilespmem:v51+s16+$0x0] =	vst.idx.msk $0xffff, v0;
	v0 =	vld [tilespmem:$0x1FC90]  }
0x21e: {  	v1 =	vor.u32 s20, v18;
	v8 =	vld.idx.msk [tilespmem:v61+s15+$0x0], $0xffff  }
0x21f: {  	v56 =	vor.u32 s26, v21;
	v53 =	vor.u32 s19, v18;
	v18 =	vld.idx.msk [tilespmem:v23+s15+$0x0], $0xffff  }
0x220: {  	v19 =	vld.idx.msk [tilespmem:v28+s15+$0x0], $0xffff;
	[tilespmem:v5+s16+$0x0] =	vst.idx.msk $0xffff, v4  }
0x221: {  	v17 =	vadd.s32 $0x14, v16;
	v3 =	vld.idx.msk [tilespmem:v3+s15+$0x0], $0xffff;
	[tilespmem:v7+s16+$0x0] =	vst.idx.msk $0xffff, v6  }
0x222: {  	s25 =	sadd.s32 $0x2, s25;
	v13 =	vmovc v30;
	v30 =	vmovc v62;
	v54 =	vadd.s32 $0x34, v16;
	v50 =	vadd.s32 $0x54, v16;
	v15 =	vadd.s32 $0x54, v24;
	v62 =	vld.idx.msk [tilespmem:v11+s15+$0x0], $0xffff  }
0x223: {  	p0 =	slt.u32 s25, $0x1E;
	v43 =	vadd.s32 $0x74, v16;
	v32 =	vadd.s32 $0xD4, v16;
	v2 =	vor.u32 s19, v2;
	[tilespmem:v1+s16+$0x0] =	vst.idx.msk $0xffff, v8;
	v8 =	vld [tilespmem:$0x1FCA0]  }
.Ltmp0:
0x224: {  	v35 =	vadd.s32 $0xB4, v16;
	v40 =	vadd.s32 $0x94, v16;
	v46 =	vadd.s32 $0x114, v16;
	[tilespmem:v56+s16+$0x0] =	vst.idx.msk $0xffff, v10;
	(pc) =	sbr.rel @p0 .LBB2_2-.Ltmp0, $4  }
0x225: {  	v23 =	vmovc v27;
	v28 =	vadd.s32 $0xF4, v16;
	v27 =	vadd.s32 $0x134, v16;
	v4 =	vor.u32 s26, v22;
	v5 =	vld.idx.msk [tilespmem:v55+s15+$0x0], $0xffff;
	[tilespmem:v58+s16+$0x0] =	vst.idx.msk $0xffff, v14  }
0x226: {  	v61 =	vor.u32 s22, v0;
	v55 =	vadd.s32 $0x74, v24;
	v1 =	vor.u32 s21, v0;
	v0 =	vld.idx.msk [tilespmem:v57+s15+$0x0], $0xffff  }
0x227: {  	v60 =	vor.u32 s22, v63;
	v63 =	vadd.s32 $0xAA, v29;
	v6 =	vor.u32 s23, v22;
	[tilespmem:v26+s16+$0x0] =	vst.idx.msk $0xffff, v18;
	v56 =	vld.idx.msk [tilespmem:v15+s15+$0x0], $0xffff  }
0x228: {  	s24 =	smov.u32 s26;
	s26 =	sadd.s32 $0x20, s26;
	v7 =	vadd.s32 $0xE0, v34;
	v26 =	vmovc v9;
	v57 =	vld.idx.msk [tilespmem:v17+s15+$0x0], $0xffff;
	[tilespmem:v59+s16+$0x0] =	vst.idx.msk $0xffff, v19;
	v58 =	vor.u32 s20, v8;
	v51 =	vor.u32 s19, v8  }
0x229: {  	_ =	sdelay $0x3  }
0x22a: {  	[tilespmem:v6+s16+$0x0] =	vst.idx.msk $0xffff, v3  }
0x22b: {  	v17 =	vld [tilespmem:$0x1FB00];
	_ =	sdelay $0x4  }
0x22c: {  	v3 =	vld.idx.msk [tilespmem:v7+s15+$0x0], $0xffff;
	v18 =	vor.u32 s23, v17;
	_ =	sdelay $0x3  }
0x22d: {  	[tilespmem:v4+s16+$0x0] =	vst.idx.msk $0xffff, v5  }
0x22e: {  	[tilespmem:v18+s16+$0x0] =	vst.idx.msk $0xffff, v3  }
0x22f: {  	v19 =	vadd.s32 $0x100, v34;
	v6 =	vld [tilespmem:$0x1FB10];
	_ =	sdelay $0x3  }
0x230: {  	v5 =	vld.idx.msk [tilespmem:v49+s15+$0x0], $0xffff;
	v7 =	vor.u32 s24, v17  }
0x231: {  	v3 =	vld.idx.msk [tilespmem:v19+s15+$0x0], $0xffff;
	v20 =	vor.u32 s23, v6;
	_ =	sdelay $0x3  }
0x232: {  	[tilespmem:v7+s16+$0x0] =	vst.idx.msk $0xffff, v5  }
0x233: {  	[tilespmem:v20+s16+$0x0] =	vst.idx.msk $0xffff, v3  }
0x234: {  	v21 =	vadd.s32 $0x120, v34;
	v22 =	vld [tilespmem:$0x1FB30];
	_ =	sdelay $0x3  }
0x235: {  	v7 =	vld.idx.msk [tilespmem:v45+s15+$0x0], $0xffff;
	v6 =	vor.u32 s24, v6  }
0x236: {  	v3 =	vld.idx.msk [tilespmem:v21+s15+$0x0], $0xffff;
	v34 =	vor.u32 s23, v22;
	_ =	sdelay $0x3  }
0x237: {  	[tilespmem:v6+s16+$0x0] =	vst.idx.msk $0xffff, v7  }
0x238: {  	v6 =	vld.idx.msk [tilespmem:v42+s15+$0x0], $0xffff;
	v5 =	vor.u32 s24, v22;
	[tilespmem:v34+s16+$0x0] =	vst.idx.msk $0xffff, v3  }
0x239: {  	v3 =	vld.idx.msk [tilespmem:v38+s2+$0x0], $0xffff;
	_ =	sdelay $0x3  }
0x23a: {  	[tilespmem:v5+s16+$0x0] =	vst.idx.msk $0xffff, v6  }
0x23b: {  	v9 =	vld [tilespmem:$0x1FBC0];
	v42 =	vadd.s32 $0xA, v3;
	_ =	sdelay $0x3  }
0x23c: {  	v4 =	vld.idx.msk [tilespmem:v37+s2+$0x0], $0xffff  }
0x23d: {  	v49 =	vor.u32 s23, v9;
	v5 =	vld.idx.msk [tilespmem:v42+s15+$0x0], $0xffff;
	_ =	sdelay $0x4  }
0x23e: {  	v45 =	vadd.s32 $0xA, v4;
	[tilespmem:v49+s16+$0x0] =	vst.idx.msk $0xffff, v5  }
0x23f: {  	v8 =	vadd.s32 $0x2A, v3;
	v59 =	vld [tilespmem:$0x1FC10];
	_ =	sdelay $0x3  }
0x240: {  	v9 =	vor.u32 s24, v9;
	v6 =	vld.idx.msk [tilespmem:v45+s15+$0x0], $0xffff  }
0x241: {  	v5 =	vld.idx.msk [tilespmem:v8+s15+$0x0], $0xffff;
	v14 =	vor.u32 s23, v59;
	_ =	sdelay $0x3  }
0x242: {  	[tilespmem:v9+s16+$0x0] =	vst.idx.msk $0xffff, v6  }
0x243: {  	v10 =	vadd.s32 $0x2A, v4;
	[tilespmem:v14+s16+$0x0] =	vst.idx.msk $0xffff, v5  }
0x244: {  	v15 =	vadd.s32 $0x4A, v3;
	v11 =	vld [tilespmem:$0x1FC30];
	_ =	sdelay $0x3  }
0x245: {  	v9 =	vld.idx.msk [tilespmem:v10+s15+$0x0], $0xffff;
	v8 =	vor.u32 s24, v59  }
0x246: {  	v16 =	vadd.s32 $0x4A, v4;
	v5 =	vld.idx.msk [tilespmem:v15+s15+$0x0], $0xffff;
	v17 =	vor.u32 s23, v11;
	_ =	sdelay $0x3  }
0x247: {  	[tilespmem:v8+s16+$0x0] =	vst.idx.msk $0xffff, v9  }
0x248: {  	v9 =	vld.idx.msk [tilespmem:v16+s15+$0x0], $0xffff;
	[tilespmem:v17+s16+$0x0] =	vst.idx.msk $0xffff, v5  }
0x249: {  	v18 =	vadd.s32 $0x6A, v3;
	v19 =	vor.u32 s24, v11;
	v21 =	vld [tilespmem:$0x1FC60]  }
0x24a: {  	v20 =	vadd.s32 $0x6A, v4;
	_ =	sdelay $0x3  }
0x24b: {  	v5 =	vld.idx.msk [tilespmem:v18+s15+$0x0], $0xffff;
	[tilespmem:v19+s16+$0x0] =	vst.idx.msk $0xffff, v9;
	v22 =	vor.u32 s23, v21  }
0x24c: {  	v9 =	vld.idx.msk [tilespmem:v20+s15+$0x0], $0xffff;
	v37 =	vor.u32 s24, v21;
	_ =	sdelay $0x2  }
0x24d: {  	[tilespmem:v60+s16+$0x0] =	vst.idx.msk $0xffff, v0  }
0x24e: {  	[tilespmem:v22+s16+$0x0] =	vst.idx.msk $0xffff, v5  }
0x24f: {  	v34 =	vadd.s32 $0x8A, v3;
	v45 =	vld [tilespmem:$0x1FC90];
	[tilespmem:v37+s16+$0x0] =	vst.idx.msk $0xffff, v9  }
0x250: {  	v38 =	vadd.s32 $0x8A, v4;
	[tilespmem:v1+s16+$0x0] =	vst.idx.msk $0xffff, v62  }
0x251: {  	v14 =	vld [tilespmem:$0x1FB20];
	_ =	sdelay $0x1  }
0x252: {  	v52 =	vld.idx.msk [tilespmem:v52+s15+$0x0], $0xffff  }
0x253: {  	v42 =	vld.idx.msk [tilespmem:v34+s15+$0x0], $0xffff;
	v49 =	vor.u32 s23, v45  }
0x254: {  	v9 =	vld.idx.msk [tilespmem:v38+s15+$0x0], $0xffff;
	v60 =	vor.u32 s24, v45  }
0x255: {  	v16 =	vld.idx.msk [tilespmem:v63+s15+$0x0], $0xffff;
	v17 =	vor.u32 s21, v14;
	_ =	sdelay $0x1  }
0x256: {  	[tilespmem:v61+s16+$0x0] =	vst.idx.msk $0xffff, v52  }
0x257: {  	[tilespmem:v49+s16+$0x0] =	vst.idx.msk $0xffff, v42  }
0x258: {  	v59 =	vadd.s32 $0xAA, v3;
	[tilespmem:v60+s16+$0x0] =	vst.idx.msk $0xffff, v9  }
0x259: {  	v62 =	vadd.s32 $0xAA, v4;
	[tilespmem:v17+s16+$0x0] =	vst.idx.msk $0xffff, v16  }
0x25a: {  	v18 =	vadd.s32 $0xCA, v29;
	v15 =	vld [tilespmem:$0x1FB40];
	_ =	sdelay $0x1  }
0x25b: {  	v21 =	vld.idx.msk [tilespmem:v47+s15+$0x0], $0xffff;
	v20 =	vor.u32 s22, v14  }
0x25c: {  	v19 =	vor.u32 s23, v14;
	v5 =	vld.idx.msk [tilespmem:v59+s15+$0x0], $0xffff  }
0x25d: {  	v14 =	vor.u32 s24, v14;
	v1 =	vld.idx.msk [tilespmem:v62+s15+$0x0], $0xffff  }
0x25e: {  	v0 =	vld.idx.msk [tilespmem:v18+s15+$0x0], $0xffff;
	v37 =	vor.u32 s21, v15;
	_ =	sdelay $0x1  }
0x25f: {  	[tilespmem:v20+s16+$0x0] =	vst.idx.msk $0xffff, v21  }
0x260: {  	v22 =	vadd.s32 $0xCA, v3;
	[tilespmem:v19+s16+$0x0] =	vst.idx.msk $0xffff, v5  }
0x261: {  	[tilespmem:v14+s16+$0x0] =	vst.idx.msk $0xffff, v1  }
0x262: {  	v34 =	vadd.s32 $0xCA, v4;
	[tilespmem:v37+s16+$0x0] =	vst.idx.msk $0xffff, v0  }
0x263: {  	v38 =	vadd.s32 $0xEA, v29;
	v59 =	vld [tilespmem:$0x1FB60];
	_ =	sdelay $0x1  }
0x264: {  	v6 =	vld.idx.msk [tilespmem:v22+s15+$0x0], $0xffff;
	v42 =	vor.u32 s23, v15  }
0x265: {  	v8 =	vld.idx.msk [tilespmem:v44+s15+$0x0], $0xffff;
	v45 =	vor.u32 s22, v15  }
0x266: {  	v49 =	vor.u32 s24, v15;
	v10 =	vld.idx.msk [tilespmem:v34+s15+$0x0], $0xffff  }
0x267: {  	v5 =	vld.idx.msk [tilespmem:v38+s15+$0x0], $0xffff;
	v60 =	vor.u32 s21, v59;
	_ =	sdelay $0x1  }
0x268: {  	[tilespmem:v42+s16+$0x0] =	vst.idx.msk $0xffff, v6  }
0x269: {  	v47 =	vadd.s32 $0xEA, v3;
	[tilespmem:v45+s16+$0x0] =	vst.idx.msk $0xffff, v8  }
0x26a: {  	[tilespmem:v49+s16+$0x0] =	vst.idx.msk $0xffff, v10  }
0x26b: {  	v52 =	vadd.s32 $0xEA, v4;
	[tilespmem:v60+s16+$0x0] =	vst.idx.msk $0xffff, v5  }
0x26c: {  	v61 =	vadd.s32 $0x10A, v29;
	v34 =	vld [tilespmem:$0x1FB90];
	_ =	sdelay $0x1  }
0x26d: {  	v62 =	vld.idx.msk [tilespmem:v47+s15+$0x0], $0xffff;
	v63 =	vor.u32 s23, v59  }
0x26e: {  	v19 =	vld.idx.msk [tilespmem:v41+s15+$0x0], $0xffff;
	v18 =	vor.u32 s22, v59  }
0x26f: {  	v0 =	vld.idx.msk [tilespmem:v52+s15+$0x0], $0xffff;
	v21 =	vor.u32 s24, v59  }
0x270: {  	v6 =	vld.idx.msk [tilespmem:v61+s15+$0x0], $0xffff;
	v37 =	vor.u32 s21, v34;
	_ =	sdelay $0x1  }
0x271: {  	[tilespmem:v63+s16+$0x0] =	vst.idx.msk $0xffff, v62  }
0x272: {  	v20 =	vadd.s32 $0x10A, v3;
	[tilespmem:v18+s16+$0x0] =	vst.idx.msk $0xffff, v19  }
0x273: {  	[tilespmem:v21+s16+$0x0] =	vst.idx.msk $0xffff, v0  }
0x274: {  	v22 =	vadd.s32 $0x10A, v4;
	[tilespmem:v37+s16+$0x0] =	vst.idx.msk $0xffff, v6  }
0x275: {  	v38 =	vadd.s32 $0x12A, v29;
	v11 =	vld [tilespmem:$0x1FBD0];
	_ =	sdelay $0x1  }
0x276: {  	v7 =	vld.idx.msk [tilespmem:v20+s15+$0x0], $0xffff;
	v41 =	vor.u32 s23, v34  }
0x277: {  	v3 =	vadd.s32 $0x12A, v3;
	v9 =	vld.idx.msk [tilespmem:v39+s15+$0x0], $0xffff;
	v42 =	vor.u32 s22, v34  }
0x278: {  	v5 =	vld.idx.msk [tilespmem:v22+s15+$0x0], $0xffff;
	v44 =	vor.u32 s24, v34  }
0x279: {  	v4 =	vadd.s32 $0x12A, v4;
	v1 =	vld.idx.msk [tilespmem:v38+s15+$0x0], $0xffff;
	v45 =	vor.u32 s21, v11;
	_ =	sdelay $0x1  }
0x27a: {  	[tilespmem:v41+s16+$0x0] =	vst.idx.msk $0xffff, v7  }
0x27b: {  	[tilespmem:v42+s16+$0x0] =	vst.idx.msk $0xffff, v9;
	v47 =	vld.idx.msk [tilespmem:v3+s15+$0x0], $0xffff;
	v49 =	vor.u32 s23, v11  }
0x27c: {  	[tilespmem:v44+s16+$0x0] =	vst.idx.msk $0xffff, v5;
	v59 =	vld.idx.msk [tilespmem:v36+s15+$0x0], $0xffff;
	v52 =	vor.u32 s22, v11  }
0x27d: {  	v61 =	vld.idx.msk [tilespmem:v4+s15+$0x0], $0xffff;
	v60 =	vor.u32 s24, v11;
	[tilespmem:v45+s16+$0x0] =	vst.idx.msk $0xffff, v1  }
0x27e: {  	v4 =	vld.idx.msk [tilespmem:v12+s2+$0x0], $0xffff;
	_ =	sdelay $0x1  }
0x27f: {  	[tilespmem:v49+s16+$0x0] =	vst.idx.msk $0xffff, v47  }
0x280: {  	[tilespmem:v52+s16+$0x0] =	vst.idx.msk $0xffff, v59  }
0x281: {  	[tilespmem:v60+s16+$0x0] =	vst.idx.msk $0xffff, v61  }
0x282: {  	v20 =	vld [tilespmem:$0x1FC50];
	v62 =	vadd.s32 $0x14, v4;
	_ =	sdelay $0x1  }
0x283: {  	v3 =	vld.idx.msk [tilespmem:v31+s2+$0x0], $0xffff  }
0x284: {  	v1 =	vld.idx.msk [tilespmem:v13+s2+$0x0], $0xffff  }
0x285: {  	v0 =	vld.idx.msk [tilespmem:v30+s2+$0x0], $0xffff  }
0x286: {  	v21 =	vor.u32 s21, v20;
	v5 =	vld.idx.msk [tilespmem:v62+s15+$0x0], $0xffff;
	_ =	sdelay $0x1  }
0x287: {  	v63 =	vadd.s32 $0x14, v3  }
0x288: {  	[tilespmem:v58+s16+$0x0] =	vst.idx.msk $0xffff, v56;
	v18 =	vadd.s32 $0x14, v1  }
0x289: {  	[tilespmem:v2+s16+$0x0] =	vst.idx.msk $0xffff, v57;
	v19 =	vadd.s32 $0x14, v0  }
0x28a: {  	[tilespmem:v21+s16+$0x0] =	vst.idx.msk $0xffff, v5  }
0x28b: {  	v22 =	vadd.s32 $0x34, v4;
	v16 =	vld [tilespmem:$0x1FC70]  }
0x28c: {  	v29 =	vor.u32 s23, v20;
	v6 =	vld.idx.msk [tilespmem:v63+s15+$0x0], $0xffff  }
0x28d: {  	v30 =	vor.u32 s22, v20;
	v7 =	vld.idx.msk [tilespmem:v18+s15+$0x0], $0xffff  }
0x28e: {  	v15 =	vor.u32 s24, v20;
	v8 =	vld.idx.msk [tilespmem:v19+s15+$0x0], $0xffff  }
0x28f: {  	v36 =	vld.idx.msk [tilespmem:v33+s15+$0x0], $0xffff  }
0x290: {  	v38 =	vld.idx.msk [tilespmem:v22+s15+$0x0], $0xffff;
	v39 =	vor.u32 s21, v16  }
0x291: {  	v41 =	vld.idx.msk [tilespmem:v54+s15+$0x0], $0xffff;
	[tilespmem:v29+s16+$0x0] =	vst.idx.msk $0xffff, v6  }
0x292: {  	[tilespmem:v30+s16+$0x0] =	vst.idx.msk $0xffff, v7  }
0x293: {  	v31 =	vadd.s32 $0x34, v3;
	[tilespmem:v15+s16+$0x0] =	vst.idx.msk $0xffff, v8  }
0x294: {  	v34 =	vadd.s32 $0x34, v1;
	[tilespmem:v48+s16+$0x0] =	vst.idx.msk $0xffff, v36  }
0x295: {  	v37 =	vadd.s32 $0x34, v0;
	[tilespmem:v39+s16+$0x0] =	vst.idx.msk $0xffff, v38  }
0x296: {  	v19 =	vld [tilespmem:$0x1FB70];
	[tilespmem:v53+s16+$0x0] =	vst.idx.msk $0xffff, v41  }
0x297: {  	v42 =	vadd.s32 $0x54, v4;
	v18 =	vld [tilespmem:$0x1FCA0]  }
0x298: {  	v44 =	vld.idx.msk [tilespmem:v31+s15+$0x0], $0xffff;
	v45 =	vor.u32 s23, v16  }
0x299: {  	v49 =	vld.idx.msk [tilespmem:v34+s15+$0x0], $0xffff;
	v47 =	vor.u32 s22, v16  }
0x29a: {  	v9 =	vld.idx.msk [tilespmem:v37+s15+$0x0], $0xffff;
	v56 =	vor.u32 s24, v16  }
0x29b: {  	v57 =	vld.idx.msk [tilespmem:v55+s15+$0x0], $0xffff;
	v58 =	vor.u32 s20, v19  }
0x29c: {  	v11 =	vld.idx.msk [tilespmem:v42+s15+$0x0], $0xffff;
	v17 =	vor.u32 s21, v18  }
0x29d: {  	[tilespmem:v45+s16+$0x0] =	vst.idx.msk $0xffff, v44  }
0x29e: {  	v52 =	vadd.s32 $0x54, v3;
	[tilespmem:v47+s16+$0x0] =	vst.idx.msk $0xffff, v49  }
0x29f: {  	v54 =	vadd.s32 $0x54, v1;
	[tilespmem:v56+s16+$0x0] =	vst.idx.msk $0xffff, v9  }
0x2a0: {  	v59 =	vadd.s32 $0x54, v0;
	[tilespmem:v58+s16+$0x0] =	vst.idx.msk $0xffff, v57  }
0x2a1: {  	v62 =	vadd.s32 $0x74, v4;
	v61 =	vld.idx.msk [tilespmem:v50+s15+$0x0], $0xffff;
	[tilespmem:v17+s16+$0x0] =	vst.idx.msk $0xffff, v11  }
0x2a2: {  	v60 =	vadd.s32 $0x94, v24;
	v20 =	vld [tilespmem:$0x1FBA0]  }
0x2a3: {  	v63 =	vld.idx.msk [tilespmem:v52+s15+$0x0], $0xffff;
	v29 =	vor.u32 s23, v18  }
0x2a4: {  	v5 =	vld.idx.msk [tilespmem:v54+s15+$0x0], $0xffff;
	v30 =	vor.u32 s22, v18  }
0x2a5: {  	v10 =	vld.idx.msk [tilespmem:v59+s15+$0x0], $0xffff;
	v34 =	vor.u32 s24, v18  }
0x2a6: {  	v39 =	vor.u32 s21, v19;
	v12 =	vld.idx.msk [tilespmem:v62+s15+$0x0], $0xffff  }
0x2a7: {  	v6 =	vld.idx.msk [tilespmem:v60+s15+$0x0], $0xffff;
	[tilespmem:v51+s16+$0x0] =	vst.idx.msk $0xffff, v61;
	v36 =	vor.u32 s20, v20  }
0x2a8: {  	[tilespmem:v29+s16+$0x0] =	vst.idx.msk $0xffff, v63  }
0x2a9: {  	v31 =	vadd.s32 $0x74, v3;
	[tilespmem:v30+s16+$0x0] =	vst.idx.msk $0xffff, v5  }
0x2aa: {  	v33 =	vadd.s32 $0x74, v1;
	[tilespmem:v34+s16+$0x0] =	vst.idx.msk $0xffff, v10  }
0x2ab: {  	v37 =	vadd.s32 $0x74, v0;
	[tilespmem:v39+s16+$0x0] =	vst.idx.msk $0xffff, v12  }
0x2ac: {  	v42 =	vld.idx.msk [tilespmem:v43+s15+$0x0], $0xffff;
	v43 =	vadd.s32 $0x94, v4;
	[tilespmem:v36+s16+$0x0] =	vst.idx.msk $0xffff, v6  }
0x2ad: {  	v38 =	vadd.s32 $0xB4, v24;
	v41 =	vor.u32 s19, v19;
	v51 =	vld [tilespmem:$0x1FBE0]  }
0x2ae: {  	v45 =	vor.u32 s23, v19;
	v44 =	vld.idx.msk [tilespmem:v31+s15+$0x0], $0xffff  }
0x2af: {  	v47 =	vor.u32 s22, v19;
	v2 =	vld.idx.msk [tilespmem:v33+s15+$0x0], $0xffff  }
0x2b0: {  	v50 =	vor.u32 s24, v19;
	v15 =	vld.idx.msk [tilespmem:v37+s15+$0x0], $0xffff  }
0x2b1: {  	v56 =	vor.u32 s21, v20;
	v55 =	vld.idx.msk [tilespmem:v43+s15+$0x0], $0xffff  }
0x2b2: {  	v7 =	vld.idx.msk [tilespmem:v38+s15+$0x0], $0xffff;
	[tilespmem:v41+s16+$0x0] =	vst.idx.msk $0xffff, v42;
	v52 =	vor.u32 s20, v51  }
0x2b3: {  	[tilespmem:v45+s16+$0x0] =	vst.idx.msk $0xffff, v44  }
0x2b4: {  	v48 =	vadd.s32 $0x94, v3;
	[tilespmem:v47+s16+$0x0] =	vst.idx.msk $0xffff, v2  }
0x2b5: {  	v49 =	vadd.s32 $0x94, v1;
	[tilespmem:v50+s16+$0x0] =	vst.idx.msk $0xffff, v15  }
0x2b6: {  	v53 =	vadd.s32 $0x94, v0;
	[tilespmem:v56+s16+$0x0] =	vst.idx.msk $0xffff, v55  }
0x2b7: {  	v59 =	vadd.s32 $0xB4, v4;
	v58 =	vld.idx.msk [tilespmem:v40+s15+$0x0], $0xffff;
	[tilespmem:v52+s16+$0x0] =	vst.idx.msk $0xffff, v7  }
0x2b8: {  	v54 =	vadd.s32 $0xD4, v24;
	v57 =	vor.u32 s19, v20;
	v31 =	vld [tilespmem:$0x1FBF0]  }
0x2b9: {  	v61 =	vor.u32 s23, v20;
	v60 =	vld.idx.msk [tilespmem:v48+s15+$0x0], $0xffff  }
0x2ba: {  	v62 =	vor.u32 s22, v20;
	v6 =	vld.idx.msk [tilespmem:v49+s15+$0x0], $0xffff  }
0x2bb: {  	v30 =	vor.u32 s24, v20;
	v15 =	vld.idx.msk [tilespmem:v53+s15+$0x0], $0xffff  }
0x2bc: {  	v37 =	vld.idx.msk [tilespmem:v59+s15+$0x0], $0xffff;
	v38 =	vor.u32 s21, v51  }
0x2bd: {  	v8 =	vld.idx.msk [tilespmem:v54+s15+$0x0], $0xffff;
	[tilespmem:v57+s16+$0x0] =	vst.idx.msk $0xffff, v58;
	v33 =	vor.u32 s20, v31  }
0x2be: {  	[tilespmem:v61+s16+$0x0] =	vst.idx.msk $0xffff, v60  }
0x2bf: {  	v63 =	vadd.s32 $0xB4, v3;
	[tilespmem:v62+s16+$0x0] =	vst.idx.msk $0xffff, v6  }
0x2c0: {  	v29 =	vadd.s32 $0xB4, v1;
	[tilespmem:v30+s16+$0x0] =	vst.idx.msk $0xffff, v15  }
0x2c1: {  	v34 =	vadd.s32 $0xB4, v0;
	[tilespmem:v38+s16+$0x0] =	vst.idx.msk $0xffff, v37  }
0x2c2: {  	v41 =	vadd.s32 $0xD4, v4;
	v40 =	vld.idx.msk [tilespmem:v35+s15+$0x0], $0xffff;
	[tilespmem:v33+s16+$0x0] =	vst.idx.msk $0xffff, v8  }
0x2c3: {  	v36 =	vadd.s32 $0xF4, v24;
	v39 =	vor.u32 s19, v51;
	v49 =	vld [tilespmem:$0x1FC20]  }
0x2c4: {  	v43 =	vor.u32 s23, v51;
	v42 =	vld.idx.msk [tilespmem:v63+s15+$0x0], $0xffff  }
0x2c5: {  	v45 =	vadd.s32 $0xD4, v3;
	v44 =	vor.u32 s22, v51;
	v7 =	vld.idx.msk [tilespmem:v29+s15+$0x0], $0xffff  }
0x2c6: {  	v47 =	vadd.s32 $0xD4, v1;
	v48 =	vor.u32 s24, v51;
	v15 =	vld.idx.msk [tilespmem:v34+s15+$0x0], $0xffff  }
0x2c7: {  	v51 =	vadd.s32 $0xD4, v0;
	v53 =	vld.idx.msk [tilespmem:v41+s15+$0x0], $0xffff;
	v54 =	vor.u32 s21, v31  }
0x2c8: {  	v57 =	vadd.s32 $0xF4, v4;
	v5 =	vld.idx.msk [tilespmem:v36+s15+$0x0], $0xffff;
	[tilespmem:v39+s16+$0x0] =	vst.idx.msk $0xffff, v40;
	v50 =	vor.u32 s20, v49  }
0x2c9: {  	[tilespmem:v43+s16+$0x0] =	vst.idx.msk $0xffff, v42;
	v56 =	vld.idx.msk [tilespmem:v32+s15+$0x0], $0xffff  }
0x2ca: {  	v55 =	vor.u32 s19, v31;
	[tilespmem:v44+s16+$0x0] =	vst.idx.msk $0xffff, v7;
	v58 =	vld.idx.msk [tilespmem:v45+s15+$0x0], $0xffff  }
0x2cb: {  	v59 =	vor.u32 s23, v31;
	[tilespmem:v48+s16+$0x0] =	vst.idx.msk $0xffff, v15;
	v8 =	vld.idx.msk [tilespmem:v47+s15+$0x0], $0xffff  }
0x2cc: {  	v61 =	vadd.s32 $0xF4, v3;
	v63 =	vor.u32 s24, v31;
	[tilespmem:v54+s16+$0x0] =	vst.idx.msk $0xffff, v53;
	v15 =	vld.idx.msk [tilespmem:v51+s15+$0x0], $0xffff  }
0x2cd: {  	v60 =	vor.u32 s22, v31;
	v31 =	vadd.s32 $0xF4, v0;
	v33 =	vld.idx.msk [tilespmem:v57+s15+$0x0], $0xffff;
	[tilespmem:v50+s16+$0x0] =	vst.idx.msk $0xffff, v5  }
0x2ce: {  	v62 =	vadd.s32 $0xF4, v1;
	v34 =	vor.u32 s21, v49;
	v29 =	vld [tilespmem:$0x1FC40]  }
0x2cf: {  	v52 =	vadd.s32 $0x114, v24;
	[tilespmem:v55+s16+$0x0] =	vst.idx.msk $0xffff, v56;
	v56 =	vld.idx.msk [tilespmem:v23+s15+$0x0], $0xffff  }
0x2d0: {  	v37 =	vadd.s32 $0x114, v4;
	v35 =	vor.u32 s19, v49;
	[tilespmem:v59+s16+$0x0] =	vst.idx.msk $0xffff, v58;
	v36 =	vld.idx.msk [tilespmem:v28+s15+$0x0], $0xffff  }
0x2d1: {  	v39 =	vor.u32 s23, v49;
	[tilespmem:v63+s16+$0x0] =	vst.idx.msk $0xffff, v15;
	v38 =	vld.idx.msk [tilespmem:v61+s15+$0x0], $0xffff  }
0x2d2: {  	v41 =	vadd.s32 $0x114, v3;
	v43 =	vor.u32 s24, v49;
	[tilespmem:v60+s16+$0x0] =	vst.idx.msk $0xffff, v8;
	v15 =	vld.idx.msk [tilespmem:v31+s15+$0x0], $0xffff  }
0x2d3: {  	v45 =	vadd.s32 $0x114, v0;
	v40 =	vor.u32 s22, v49;
	[tilespmem:v34+s16+$0x0] =	vst.idx.msk $0xffff, v33;
	v5 =	vld.idx.msk [tilespmem:v62+s15+$0x0], $0xffff  }
0x2d4: {  	v42 =	vadd.s32 $0x114, v1;
	v2 =	vld.idx.msk [tilespmem:v52+s15+$0x0], $0xffff;
	v30 =	vor.u32 s20, v29;
	[tilespmem:v26+s16+$0x0] =	vst.idx.msk $0xffff, v56  }
0x2d5: {  	v32 =	vadd.s32 $0x134, v24;
	v47 =	vld.idx.msk [tilespmem:v37+s15+$0x0], $0xffff;
	v48 =	vor.u32 s21, v29;
	[tilespmem:v35+s16+$0x0] =	vst.idx.msk $0xffff, v36  }
0x2d6: {  	v4 =	vadd.s32 $0x134, v4;
	v49 =	vor.u32 s19, v29;
	[tilespmem:v39+s16+$0x0] =	vst.idx.msk $0xffff, v38;
	v50 =	vld.idx.msk [tilespmem:v46+s15+$0x0], $0xffff  }
0x2d7: {  	v52 =	vor.u32 s23, v29;
	[tilespmem:v43+s16+$0x0] =	vst.idx.msk $0xffff, v15;
	v51 =	vld.idx.msk [tilespmem:v41+s15+$0x0], $0xffff  }
0x2d8: {  	v3 =	vadd.s32 $0x134, v3;
	v54 =	vor.u32 s24, v29;
	[tilespmem:v40+s16+$0x0] =	vst.idx.msk $0xffff, v5;
	v55 =	vld.idx.msk [tilespmem:v45+s15+$0x0], $0xffff  }
0x2d9: {  	v0 =	vadd.s32 $0x134, v0;
	v53 =	vor.u32 s22, v29;
	[tilespmem:v30+s16+$0x0] =	vst.idx.msk $0xffff, v2;
	v2 =	vld.idx.msk [tilespmem:v42+s15+$0x0], $0xffff  }
0x2da: {  	v44 =	vor.u32 s20, v25;
	v1 =	vadd.s32 $0x134, v1;
	[tilespmem:v48+s16+$0x0] =	vst.idx.msk $0xffff, v47;
	v6 =	vld.idx.msk [tilespmem:v32+s15+$0x0], $0xffff  }
0x2db: {  	v57 =	vor.u32 s21, v25;
	v4 =	vld.idx.msk [tilespmem:v4+s15+$0x0], $0xffff;
	[tilespmem:v49+s16+$0x0] =	vst.idx.msk $0xffff, v50  }
0x2dc: {  	v58 =	vor.u32 s19, v25;
	[tilespmem:v52+s16+$0x0] =	vst.idx.msk $0xffff, v51;
	v59 =	vld.idx.msk [tilespmem:v27+s15+$0x0], $0xffff  }
0x2dd: {  	v61 =	vor.u32 s23, v25;
	[tilespmem:v54+s16+$0x0] =	vst.idx.msk $0xffff, v55;
	v60 =	vld.idx.msk [tilespmem:v3+s15+$0x0], $0xffff  }
0x2de: {  	v63 =	vor.u32 s24, v25;
	v0 =	vld.idx.msk [tilespmem:v0+s15+$0x0], $0xffff;
	[tilespmem:v53+s16+$0x0] =	vst.idx.msk $0xffff, v2  }
0x2df: {  	v62 =	vor.u32 s22, v25;
	[tilespmem:v44+s16+$0x0] =	vst.idx.msk $0xffff, v6;
	v1 =	vld.idx.msk [tilespmem:v1+s15+$0x0], $0xffff  }
0x2e0: {  	[tilespmem:v57+s16+$0x0] =	vst.idx.msk $0xffff, v4  }
0x2e1: {  	[tilespmem:v58+s16+$0x0] =	vst.idx.msk $0xffff, v59  }
0x2e2: {  	s18 =	sadd.s32 $0x1, s18;
	[tilespmem:v61+s16+$0x0] =	vst.idx.msk $0xffff, v60  }
0x2e3: {  	p0 =	sne.s32 s18, s9;
	[tilespmem:v63+s16+$0x0] =	vst.idx.msk $0xffff, v0  }
.Ltmp1:
0x2e4: {  	[tilespmem:v62+s16+$0x0] =	vst.idx.msk $0xffff, v1;
	(pc) =	sbr.rel @p0 .LBB2_1-.Ltmp1, $4  }
0x2e5: {  	[hbm4b:s8+s11] =	stream.strided.scatter [tilespmem:s16], [sflag:$0x1], $0x3C00, s17, s11, $0x38;
	[tilespmem:$0x43C8] =	vst v63  }
0x2e6: {  	_ =	swait.ge [sflag:s10], $0x3C00  }
0x2e7: {  	[sflag:s10] =	ssyncset.done $0x0  }
0x2e8: {  	v51 =	vlaneseq.u32;
	[sflag:s10] =	ssyncadd.s32 $0xFFFFC400  }
0x2e9: {  	_ =	sfence.sel $0x180000  }
0x2ea: {  	[bflag:$0x0] =	sbarrier.arrive $0xFFFF  }
0x2eb: {  	p0 =	sne.s32 s1, $0x0;
	_ =	strace $0x90000047  }
0x2ec: {  	s0 =	sadd.s32 @!p0 $0x100000, s0;
	[bflag:$0x2] =	sbarrier.arrive $0xFFFF  }
0x2ed: {  	[sflag:s0] =	ssyncadd.tile.s32 @!p0 $0x1;
	_ =	shalt  }
.Lfunc_end2:
_tile_overlayer_lowered:
.L_overlay_start_2:
0x2ee: {  	(tag) =	ssettag $0x2  }
0x2ef: {  	s0 =	rddreg [dreg:$0x0];
	s2 =	stileid.u32  }
0x2f0: {  	s1 =	rddreg [dreg:$0x1];
	p0 =	sne.s32 s2, $0x0  }
0x2f1: {  	s3 =	rddreg [dreg:$0x2];
	[bflag:$0x3] =	sbarrier.arrive $0xFFFF;
	s2 =	simm.s32 @!p0 $0x1C01  }
0x2f2: {  	[timem:s3], [sflag:s2] =	dma.local @!p0 [hbm:s0], s1  }
0x2f3: {  	s0 =	simm.s32 @!p0 $0x1  }
0x2f4: {  	_ =	swait.ge @!p0 [sflag:s0], s1  }
0x2f5: {  	s1 =	ssub.s32 @!p0 $0x0, s1;
	[sflag:s0] =	ssyncset.done @!p0 $0x0  }
0x2f6: {  	[sflag:s0] =	ssyncadd.s32 @!p0 s1  }
0x2f7: {  	[bflag:$0x3] =	sbarrier.arrive $0xFFFF  }
0x2f8: {  	_ =	shalt  }

</sc_bundles>
